<compile_context>
chip_gen: v7x
topology: tpu7x:2x2x1
jax: 0.10.2.dev20260603
libtpu: 0.0.44.dev20260713+nightly
codegen_flags: <defaults>
</compile_context>

<pallas_src>
import functools

import jax
import jax.numpy as jnp
from jax import lax
from jax.experimental import pallas as pl
from jax.experimental.pallas import tpu as pltpu
from jax.experimental.pallas import tpu_sc as plsc

_NC, _NS, _L = 2, 16, 16
_NW = _NC * _NS
_CHUNK = 8
_NSLOT = 3
_UNROLL = 16


_SKEW = 0


@functools.cache
def _build_sc_kernel(B, S, D, dtype):
    rows_per_w = S // _NW
    pair_rows = _NC * rows_per_w
    r0 = rows_per_w + _SKEW
    r1 = pair_rows - r0
    n0, n1 = r0 // _CHUNK, r1 // _CHUNK
    vecs_per_row = D // _L

    mesh = plsc.VectorSubcoreMesh(core_axis_name="c", subcore_axis_name="s")

    @functools.partial(
        pl.kernel,
        out_type=jax.ShapeDtypeStruct((B, S, D), dtype),
        mesh=mesh,
        scratch_types=[
            pltpu.VMEM((_NSLOT, _CHUNK, D), jnp.float32),
            pltpu.VMEM((_NSLOT, B, _CHUNK, D), jnp.float32),
            pltpu.SemaphoreType.DMA((_NSLOT,)),
            pltpu.SemaphoreType.DMA((_NSLOT,)),
        ],
    )
    def sc_kernel(in_hbm, emb_hbm, out_hbm, emb_v, io_v, lsem, ssem):
        c = lax.axis_index("c")
        s = lax.axis_index("s")
        base = s * pair_rows + c * r0
        n_chunks = jnp.where(c == 0, n0, n1)

        def load_descs(ci, slot):
            row0 = base + ci * _CHUNK
            return [
                pltpu.make_async_copy(emb_hbm.at[pl.ds(row0, _CHUNK)],
                                      emb_v.at[slot], lsem.at[slot]),
                pltpu.make_async_copy(in_hbm.at[:, pl.ds(row0, _CHUNK)],
                                      io_v.at[slot], lsem.at[slot]),
            ]

        def store_descs(ci, slot):
            row0 = base + ci * _CHUNK
            return [pltpu.make_async_copy(io_v.at[slot],
                                          out_hbm.at[:, pl.ds(row0, _CHUNK)],
                                          ssem.at[slot])]

        def start_loads(ci, slot):
            for d in load_descs(ci, slot):
                d.start()

        def wait_loads(ci, slot):
            for d in load_descs(ci, slot):
                d.wait()

        def start_stores(ci, slot):
            for d in store_descs(ci, slot):
                d.start()

        def wait_stores(ci, slot):
            for d in store_descs(ci, slot):
                d.wait()

        start_loads(0, 0)

        @pl.loop(0, n_chunks)
        def _chunk(ci):
            slot = lax.rem(ci, _NSLOT)
            nxt = lax.rem(ci + 1, _NSLOT)

            @pl.when(ci + 1 < n_chunks)
            def _():
                @pl.when(ci >= _NSLOT - 1)
                def _():
                    wait_stores(ci - (_NSLOT - 1), nxt)
                start_loads(ci + 1, nxt)

            wait_loads(ci, slot)

            @pl.loop(0, _CHUNK)
            def _row(r):
                @plsc.parallel_loop(0, vecs_per_row, unroll=_UNROLL)
                def _col(cv):
                    sl = pl.ds(cv * _L, _L)
                    e = emb_v[slot, r, sl]
                    for b in range(B):
                        plsc.addupdate(io_v.at[slot, b, r, sl], e)

            start_stores(ci, slot)

        for k in range(_NSLOT, 0, -1):
            tail = n_chunks - k
            wait_stores(tail, lax.rem(tail, _NSLOT))

    return sc_kernel


def kernel(inputs, embeddings):
    B, S, D = inputs.shape
    pos = embeddings[:S]
    return _build_sc_kernel(B, S, D, inputs.dtype)(inputs, pos)

# --- scband reference (transcript-rebuilt; emitter-appended) ---
"""Pipeline reference for scband-position-embedding-48026324304166 (READ-ONLY COPY).

The authoritative reference and input builder live on the scoring server;
editing this copy changes nothing except your own understanding.
"""

import jax, jax.numpy as jnp
import numpy as np

def setup_inputs(seed: int = 0) -> dict:
    key = jax.random.key(seed)
    k1, k2 = jax.random.split(key)
    inputs = jax.random.normal(k1, (4, 8192, 1024), dtype=jnp.float32)
    # learned position embedding table: (input_dim, output_dim) = (8192, 1024)
    embeddings = jax.random.normal(k2, (8192, 1024), dtype=jnp.float32) * 0.02
    return {"inputs": inputs, "embeddings": embeddings}

def reference(inputs, embeddings):
    # merge_mode == 'add'
    seq_len = inputs.shape[1]
    pos_embeddings = embeddings[:seq_len]
    pos_embeddings = jnp.expand_dims(pos_embeddings, 0)
    return inputs + pos_embeddings

if __name__ == "__main__":
    import jax
    _d = setup_inputs()
    print(jax.jit(kernel)(*tuple(_d.values())))

</pallas_src>

<mosaic_0001>
#map = affine_map<(d0, d1) -> (0, 0, 0)>
#map1 = affine_map<(d0, d1) -> (0, 0)>
module attributes {stable_mosaic.version = 14 : i64} {
  func.func @sc_kernel(%arg0: i32, %arg1: i32, %arg2: memref<4x8192x1024xf32, #tpu.memory_space<hbm>>, %arg3: memref<8192x1024xf32, #tpu.memory_space<hbm>>, %arg4: memref<4x8192x1024xf32, #tpu.memory_space<hbm>>, %arg5: memref<3x8x1024xf32, #tpu.memory_space<vmem>>, %arg6: memref<3x4x8x1024xf32, #tpu.memory_space<vmem>>, %arg7: memref<3x!tpu.dma_semaphore, #tpu.memory_space<semaphore_mem>>, %arg8: memref<3x!tpu.dma_semaphore, #tpu.memory_space<semaphore_mem>>) attributes {dimension_semantics = [#tpu.dimension_semantics<core_parallel>, #tpu.dimension_semantics<subcore_parallel>], iteration_bounds = array<i64: 2, 16>, scalar_prefetch = 0 : i64, scratch_operands = 4 : i64, tpu.core_type = #tpu.core_type<sc_vector_subcore>, window_params = [{transform_indices = #map}, {transform_indices = #map1}, {transform_indices = #map}]} {
    %mul3A = arith.constant 512 : i32
    %mul3A_0 = arith.muli %arg1, %mul3A : i32
    %mul3A_1 = arith.constant 256 : i32
    %mul3A_2 = arith.muli %arg0, %mul3A_1 : i32
    %add3A = arith.addi %mul3A_0, %mul3A_2 : i32
    %eq3A = arith.constant 0 : i32
    %eq3A_3 = arith.cmpi eq, %arg0, %eq3A : i32
    %jit3A = arith.constant 32 : i32
    %jit3A_4 = arith.constant 32 : i32
    %select_n3A = arith.select %eq3A_3, %jit3A, %jit3A_4 : i32
    %add3A_5 = arith.constant 0 : i32
    %add3A_6 = arith.addi %add3A, %add3A_5 : i32
    %dma_start3A = arith.constant 0 : i32
    %dma_start3A_7 = arith.constant 0 : i32
    %dma_start3A_8 = arith.constant 0 : i32
    %dma_start3A_9 = arith.constant 0 : i32
    %dma_start3A_10 = tpu.memref_slice %arg5[%dma_start3A, %dma_start3A_8, %dma_start3A_9] : memref<3x8x1024xf32, #tpu.memory_space<vmem>> -> memref<1x8x1024xf32, #tpu.memory_space<vmem>>
    %dma_start3A_11 = tpu.memref_squeeze %dma_start3A_10 : memref<1x8x1024xf32, #tpu.memory_space<vmem>> -> memref<8x1024xf32, #tpu.memory_space<vmem>>
    %dma_start3A_12 = arith.constant 0 : i32
    %dma_start3A_13 = tpu.memref_slice %arg3[%add3A_6, %dma_start3A_12] : memref<8192x1024xf32, #tpu.memory_space<hbm>> -> memref<8x1024xf32, #tpu.memory_space<hbm>>
    %dma_start3A_14 = tpu.memref_slice %arg7[%dma_start3A_7] : memref<3x!tpu.dma_semaphore, #tpu.memory_space<semaphore_mem>> -> memref<1x!tpu.dma_semaphore, #tpu.memory_space<semaphore_mem>>
    %dma_start3A_15 = tpu.memref_squeeze %dma_start3A_14 : memref<1x!tpu.dma_semaphore, #tpu.memory_space<semaphore_mem>> -> memref<!tpu.dma_semaphore, #tpu.memory_space<semaphore_mem>>
    %dma_start3A_16 = arith.constant 0 : i32
    %dma_start3A_17 = arith.constant 0 : i32
    %dma_start3A_18 = tpu.memref_slice %arg5[%dma_start3A, %dma_start3A_16, %dma_start3A_17] : memref<3x8x1024xf32, #tpu.memory_space<vmem>> -> memref<1x8x1024xf32, #tpu.memory_space<vmem>>
    %dma_start3A_19 = tpu.memref_squeeze %dma_start3A_18 : memref<1x8x1024xf32, #tpu.memory_space<vmem>> -> memref<8x1024xf32, #tpu.memory_space<vmem>>
    %dma_start3A_20 = arith.constant 0 : i32
    %dma_start3A_21 = tpu.memref_slice %arg3[%add3A_6, %dma_start3A_20] : memref<8192x1024xf32, #tpu.memory_space<hbm>> -> memref<8x1024xf32, #tpu.memory_space<hbm>>
    tpu.enqueue_dma source(%dma_start3A_21 : memref<8x1024xf32, #tpu.memory_space<hbm>>) target(%dma_start3A_19 : memref<8x1024xf32, #tpu.memory_space<vmem>>) target_semaphore(%dma_start3A_15 : memref<!tpu.dma_semaphore, #tpu.memory_space<semaphore_mem>>)
    %dma_start3A_22 = arith.constant 0 : i32
    %dma_start3A_23 = arith.constant 0 : i32
    %dma_start3A_24 = arith.constant 0 : i32
    %dma_start3A_25 = arith.constant 0 : i32
    %dma_start3A_26 = arith.constant 0 : i32
    %dma_start3A_27 = tpu.memref_slice %arg6[%dma_start3A_22, %dma_start3A_24, %dma_start3A_25, %dma_start3A_26] : memref<3x4x8x1024xf32, #tpu.memory_space<vmem>> -> memref<1x4x8x1024xf32, #tpu.memory_space<vmem>>
    %dma_start3A_28 = tpu.memref_squeeze %dma_start3A_27 : memref<1x4x8x1024xf32, #tpu.memory_space<vmem>> -> memref<4x8x1024xf32, #tpu.memory_space<vmem>>
    %dma_start3A_29 = arith.constant 0 : i32
    %dma_start3A_30 = arith.constant 0 : i32
    %dma_start3A_31 = tpu.memref_slice %arg2[%dma_start3A_29, %add3A_6, %dma_start3A_30] : memref<4x8192x1024xf32, #tpu.memory_space<hbm>> -> memref<4x8x1024xf32, #tpu.memory_space<hbm>>
    %dma_start3A_32 = tpu.memref_slice %arg7[%dma_start3A_23] : memref<3x!tpu.dma_semaphore, #tpu.memory_space<semaphore_mem>> -> memref<1x!tpu.dma_semaphore, #tpu.memory_space<semaphore_mem>>
    %dma_start3A_33 = tpu.memref_squeeze %dma_start3A_32 : memref<1x!tpu.dma_semaphore, #tpu.memory_space<semaphore_mem>> -> memref<!tpu.dma_semaphore, #tpu.memory_space<semaphore_mem>>
    %dma_start3A_34 = arith.constant 0 : i32
    %dma_start3A_35 = arith.constant 0 : i32
    %dma_start3A_36 = arith.constant 0 : i32
    %dma_start3A_37 = tpu.memref_slice %arg6[%dma_start3A_22, %dma_start3A_34, %dma_start3A_35, %dma_start3A_36] : memref<3x4x8x1024xf32, #tpu.memory_space<vmem>> -> memref<1x4x8x1024xf32, #tpu.memory_space<vmem>>
    %dma_start3A_38 = tpu.memref_squeeze %dma_start3A_37 : memref<1x4x8x1024xf32, #tpu.memory_space<vmem>> -> memref<4x8x1024xf32, #tpu.memory_space<vmem>>
    %dma_start3A_39 = arith.constant 0 : i32
    %dma_start3A_40 = arith.constant 0 : i32
    %dma_start3A_41 = tpu.memref_slice %arg2[%dma_start3A_39, %add3A_6, %dma_start3A_40] : memref<4x8192x1024xf32, #tpu.memory_space<hbm>> -> memref<4x8x1024xf32, #tpu.memory_space<hbm>>
    tpu.enqueue_dma source(%dma_start3A_41 : memref<4x8x1024xf32, #tpu.memory_space<hbm>>) target(%dma_start3A_38 : memref<4x8x1024xf32, #tpu.memory_space<vmem>>) target_semaphore(%dma_start3A_33 : memref<!tpu.dma_semaphore, #tpu.memory_space<semaphore_mem>>)
    %sub3A = arith.constant 0 : i32
    %sub3A_42 = arith.subi %select_n3A, %sub3A : i32
    %sub3A_43 = arith.constant 1 : i32
    %sub3A_44 = arith.constant 1 : i32
    %sub3A_45 = arith.subi %sub3A_43, %sub3A_44 : i32
    %add3A_46 = arith.addi %sub3A_42, %sub3A_45 : i32
    %div3A = arith.constant 1 : i32
    %div3A_47 = arith.divsi %add3A_46, %div3A : i32
    %while3A = arith.constant 1 : i32
    %while3A_48 = arith.constant 0 : i32
    %while3A_49 = arith.constant 0 : i32
    %while3A_50 = arith.subi %div3A_47, %while3A_49 : i32
    %while3A_51 = arith.addi %while3A_49, %while3A_50 : i32
    %while3A_52 = arith.constant 1 : i32
    %while3A_53 = arith.divsi %while3A_50, %while3A_52 : i32
    %while3A_54 = arith.muli %while3A_53, %while3A_52 : i32
    %while3A_55 = arith.addi %while3A_49, %while3A_54 : i32
    %while3A_56 = arith.constant 1 : i32
    scf.for %while3A_131 = %while3A_49 to %while3A_55 step %while3A_56  : i32 {
      %mul3A_132 = arith.muli %while3A_131, %while3A : i32
      %add3A_133 = arith.addi %while3A_48, %mul3A_132 : i32
      %rem3A_134 = arith.constant 3 : i32
      %rem3A_135 = arith.remsi %add3A_133, %rem3A_134 : i32
      %add3A_136 = arith.constant 1 : i32
      %add3A_137 = arith.addi %add3A_133, %add3A_136 : i32
      %rem3A_138 = arith.constant 3 : i32
      %rem3A_139 = arith.remsi %add3A_137, %rem3A_138 : i32
      %add3A_140 = arith.constant 1 : i32
      %add3A_141 = arith.addi %add3A_133, %add3A_140 : i32
      %lt3A = arith.cmpi slt, %add3A_141, %select_n3A : i32
      %convert_element_type3A = arith.extui %lt3A : i1 to i32
      %cond3A = arith.constant 0 : i32
      %cond3A_142 = arith.cmpi ne, %convert_element_type3A, %cond3A : i32
      scf.if %cond3A_142 {
        %ge3A = arith.constant 2 : i32
        %ge3A_203 = arith.cmpi sge, %add3A_133, %ge3A : i32
        %convert_element_type3A_204 = arith.extui %ge3A_203 : i1 to i32
        %cond3A_205 = arith.constant 0 : i32
        %cond3A_206 = arith.cmpi ne, %convert_element_type3A_204, %cond3A_205 : i32
        scf.if %cond3A_206 {
          %sub3A_244 = arith.constant 2 : i32
          %sub3A_245 = arith.subi %add3A_133, %sub3A_244 : i32
          %mul3A_246 = arith.constant 8 : i32
          %mul3A_247 = arith.muli %sub3A_245, %mul3A_246 : i32
          %add3A_248 = arith.addi %add3A, %mul3A_247 : i32
          %dma_wait3A_249 = arith.constant 0 : i32
          %dma_wait3A_250 = arith.constant 0 : i32
          %dma_wait3A_251 = arith.constant 0 : i32
          %dma_wait3A_252 = tpu.memref_slice %arg6[%rem3A_139, %dma_wait3A_249, %dma_wait3A_250, %dma_wait3A_251] : memref<3x4x8x1024xf32, #tpu.memory_space<vmem>> -> memref<1x4x8x1024xf32, #tpu.memory_space<vmem>>
          %dma_wait3A_253 = tpu.memref_squeeze %dma_wait3A_252 : memref<1x4x8x1024xf32, #tpu.memory_space<vmem>> -> memref<4x8x1024xf32, #tpu.memory_space<vmem>>
          %dma_wait3A_254 = arith.constant 0 : i32
          %dma_wait3A_255 = arith.constant 0 : i32
          %dma_wait3A_256 = tpu.memref_slice %arg4[%dma_wait3A_254, %add3A_248, %dma_wait3A_255] : memref<4x8192x1024xf32, #tpu.memory_space<hbm>> -> memref<4x8x1024xf32, #tpu.memory_space<hbm>>
          %dma_wait3A_257 = tpu.memref_slice %arg8[%rem3A_139] : memref<3x!tpu.dma_semaphore, #tpu.memory_space<semaphore_mem>> -> memref<1x!tpu.dma_semaphore, #tpu.memory_space<semaphore_mem>>
          %dma_wait3A_258 = tpu.memref_squeeze %dma_wait3A_257 : memref<1x!tpu.dma_semaphore, #tpu.memory_space<semaphore_mem>> -> memref<!tpu.dma_semaphore, #tpu.memory_space<semaphore_mem>>
          %dma_wait3A_259 = arith.constant 0 : i32
          %dma_wait3A_260 = arith.constant 0 : i32
          %dma_wait3A_261 = tpu.memref_slice %arg4[%dma_wait3A_259, %add3A_248, %dma_wait3A_260] : memref<4x8192x1024xf32, #tpu.memory_space<hbm>> -> memref<4x8x1024xf32, #tpu.memory_space<hbm>>
          %dma_wait3A_262 = arith.constant 0 : i32
          %dma_wait3A_263 = arith.constant 0 : i32
          %dma_wait3A_264 = arith.constant 0 : i32
          %dma_wait3A_265 = tpu.memref_slice %arg6[%rem3A_139, %dma_wait3A_262, %dma_wait3A_263, %dma_wait3A_264] : memref<3x4x8x1024xf32, #tpu.memory_space<vmem>> -> memref<1x4x8x1024xf32, #tpu.memory_space<vmem>>
          %dma_wait3A_266 = tpu.memref_squeeze %dma_wait3A_265 : memref<1x4x8x1024xf32, #tpu.memory_space<vmem>> -> memref<4x8x1024xf32, #tpu.memory_space<vmem>>
          tpu.wait_dma2 semaphore(%dma_wait3A_258 : memref<!tpu.dma_semaphore, #tpu.memory_space<semaphore_mem>>) src(%dma_wait3A_266 : memref<4x8x1024xf32, #tpu.memory_space<vmem>>) dst(%dma_wait3A_261 : memref<4x8x1024xf32, #tpu.memory_space<hbm>>)
        } else {
        }
        %add3A_207 = arith.constant 1 : i32
        %add3A_208 = arith.addi %add3A_133, %add3A_207 : i32
        %mul3A_209 = arith.constant 8 : i32
        %mul3A_210 = arith.muli %add3A_208, %mul3A_209 : i32
        %add3A_211 = arith.addi %add3A, %mul3A_210 : i32
        %dma_start3A_212 = arith.constant 0 : i32
        %dma_start3A_213 = arith.constant 0 : i32
        %dma_start3A_214 = tpu.memref_slice %arg5[%rem3A_139, %dma_start3A_212, %dma_start3A_213] : memref<3x8x1024xf32, #tpu.memory_space<vmem>> -> memref<1x8x1024xf32, #tpu.memory_space<vmem>>
        %dma_start3A_215 = tpu.memref_squeeze %dma_start3A_214 : memref<1x8x1024xf32, #tpu.memory_space<vmem>> -> memref<8x1024xf32, #tpu.memory_space<vmem>>
        %dma_start3A_216 = arith.constant 0 : i32
        %dma_start3A_217 = tpu.memref_slice %arg3[%add3A_211, %dma_start3A_216] : memref<8192x1024xf32, #tpu.memory_space<hbm>> -> memref<8x1024xf32, #tpu.memory_space<hbm>>
        %dma_start3A_218 = tpu.memref_slice %arg7[%rem3A_139] : memref<3x!tpu.dma_semaphore, #tpu.memory_space<semaphore_mem>> -> memref<1x!tpu.dma_semaphore, #tpu.memory_space<semaphore_mem>>
        %dma_start3A_219 = tpu.memref_squeeze %dma_start3A_218 : memref<1x!tpu.dma_semaphore, #tpu.memory_space<semaphore_mem>> -> memref<!tpu.dma_semaphore, #tpu.memory_space<semaphore_mem>>
        %dma_start3A_220 = arith.constant 0 : i32
        %dma_start3A_221 = arith.constant 0 : i32
        %dma_start3A_222 = tpu.memref_slice %arg5[%rem3A_139, %dma_start3A_220, %dma_start3A_221] : memref<3x8x1024xf32, #tpu.memory_space<vmem>> -> memref<1x8x1024xf32, #tpu.memory_space<vmem>>
        %dma_start3A_223 = tpu.memref_squeeze %dma_start3A_222 : memref<1x8x1024xf32, #tpu.memory_space<vmem>> -> memref<8x1024xf32, #tpu.memory_space<vmem>>
        %dma_start3A_224 = arith.constant 0 : i32
        %dma_start3A_225 = tpu.memref_slice %arg3[%add3A_211, %dma_start3A_224] : memref<8192x1024xf32, #tpu.memory_space<hbm>> -> memref<8x1024xf32, #tpu.memory_space<hbm>>
        tpu.enqueue_dma source(%dma_start3A_225 : memref<8x1024xf32, #tpu.memory_space<hbm>>) target(%dma_start3A_223 : memref<8x1024xf32, #tpu.memory_space<vmem>>) target_semaphore(%dma_start3A_219 : memref<!tpu.dma_semaphore, #tpu.memory_space<semaphore_mem>>)
        %dma_start3A_226 = arith.constant 0 : i32
        %dma_start3A_227 = arith.constant 0 : i32
        %dma_start3A_228 = arith.constant 0 : i32
        %dma_start3A_229 = tpu.memref_slice %arg6[%rem3A_139, %dma_start3A_226, %dma_start3A_227, %dma_start3A_228] : memref<3x4x8x1024xf32, #tpu.memory_space<vmem>> -> memref<1x4x8x1024xf32, #tpu.memory_space<vmem>>
        %dma_start3A_230 = tpu.memref_squeeze %dma_start3A_229 : memref<1x4x8x1024xf32, #tpu.memory_space<vmem>> -> memref<4x8x1024xf32, #tpu.memory_space<vmem>>
        %dma_start3A_231 = arith.constant 0 : i32
        %dma_start3A_232 = arith.constant 0 : i32
        %dma_start3A_233 = tpu.memref_slice %arg2[%dma_start3A_231, %add3A_211, %dma_start3A_232] : memref<4x8192x1024xf32, #tpu.memory_space<hbm>> -> memref<4x8x1024xf32, #tpu.memory_space<hbm>>
        %dma_start3A_234 = tpu.memref_slice %arg7[%rem3A_139] : memref<3x!tpu.dma_semaphore, #tpu.memory_space<semaphore_mem>> -> memref<1x!tpu.dma_semaphore, #tpu.memory_space<semaphore_mem>>
        %dma_start3A_235 = tpu.memref_squeeze %dma_start3A_234 : memref<1x!tpu.dma_semaphore, #tpu.memory_space<semaphore_mem>> -> memref<!tpu.dma_semaphore, #tpu.memory_space<semaphore_mem>>
        %dma_start3A_236 = arith.constant 0 : i32
        %dma_start3A_237 = arith.constant 0 : i32
        %dma_start3A_238 = arith.constant 0 : i32
        %dma_start3A_239 = tpu.memref_slice %arg6[%rem3A_139, %dma_start3A_236, %dma_start3A_237, %dma_start3A_238] : memref<3x4x8x1024xf32, #tpu.memory_space<vmem>> -> memref<1x4x8x1024xf32, #tpu.memory_space<vmem>>
        %dma_start3A_240 = tpu.memref_squeeze %dma_start3A_239 : memref<1x4x8x1024xf32, #tpu.memory_space<vmem>> -> memref<4x8x1024xf32, #tpu.memory_space<vmem>>
        %dma_start3A_241 = arith.constant 0 : i32
        %dma_start3A_242 = arith.constant 0 : i32
        %dma_start3A_243 = tpu.memref_slice %arg2[%dma_start3A_241, %add3A_211, %dma_start3A_242] : memref<4x8192x1024xf32, #tpu.memory_space<hbm>> -> memref<4x8x1024xf32, #tpu.memory_space<hbm>>
        tpu.enqueue_dma source(%dma_start3A_243 : memref<4x8x1024xf32, #tpu.memory_space<hbm>>) target(%dma_start3A_240 : memref<4x8x1024xf32, #tpu.memory_space<vmem>>) target_semaphore(%dma_start3A_235 : memref<!tpu.dma_semaphore, #tpu.memory_space<semaphore_mem>>)
      } else {
      }
      %mul3A_143 = arith.constant 8 : i32
      %mul3A_144 = arith.muli %add3A_133, %mul3A_143 : i32
      %add3A_145 = arith.addi %add3A, %mul3A_144 : i32
      %dma_wait3A_146 = arith.constant 0 : i32
      %dma_wait3A_147 = arith.constant 0 : i32
      %dma_wait3A_148 = tpu.memref_slice %arg5[%rem3A_135, %dma_wait3A_146, %dma_wait3A_147] : memref<3x8x1024xf32, #tpu.memory_space<vmem>> -> memref<1x8x1024xf32, #tpu.memory_space<vmem>>
      %dma_wait3A_149 = tpu.memref_squeeze %dma_wait3A_148 : memref<1x8x1024xf32, #tpu.memory_space<vmem>> -> memref<8x1024xf32, #tpu.memory_space<vmem>>
      %dma_wait3A_150 = arith.constant 0 : i32
      %dma_wait3A_151 = tpu.memref_slice %arg3[%add3A_145, %dma_wait3A_150] : memref<8192x1024xf32, #tpu.memory_space<hbm>> -> memref<8x1024xf32, #tpu.memory_space<hbm>>
      %dma_wait3A_152 = tpu.memref_slice %arg7[%rem3A_135] : memref<3x!tpu.dma_semaphore, #tpu.memory_space<semaphore_mem>> -> memref<1x!tpu.dma_semaphore, #tpu.memory_space<semaphore_mem>>
      %dma_wait3A_153 = tpu.memref_squeeze %dma_wait3A_152 : memref<1x!tpu.dma_semaphore, #tpu.memory_space<semaphore_mem>> -> memref<!tpu.dma_semaphore, #tpu.memory_space<semaphore_mem>>
      %dma_wait3A_154 = arith.constant 0 : i32
      %dma_wait3A_155 = arith.constant 0 : i32
      %dma_wait3A_156 = tpu.memref_slice %arg5[%rem3A_135, %dma_wait3A_154, %dma_wait3A_155] : memref<3x8x1024xf32, #tpu.memory_space<vmem>> -> memref<1x8x1024xf32, #tpu.memory_space<vmem>>
      %dma_wait3A_157 = tpu.memref_squeeze %dma_wait3A_156 : memref<1x8x1024xf32, #tpu.memory_space<vmem>> -> memref<8x1024xf32, #tpu.memory_space<vmem>>
      %dma_wait3A_158 = arith.constant 0 : i32
      %dma_wait3A_159 = tpu.memref_slice %arg3[%add3A_145, %dma_wait3A_158] : memref<8192x1024xf32, #tpu.memory_space<hbm>> -> memref<8x1024xf32, #tpu.memory_space<hbm>>
      tpu.wait_dma2 semaphore(%dma_wait3A_153 : memref<!tpu.dma_semaphore, #tpu.memory_space<semaphore_mem>>) src(%dma_wait3A_159 : memref<8x1024xf32, #tpu.memory_space<hbm>>) dst(%dma_wait3A_157 : memref<8x1024xf32, #tpu.memory_space<vmem>>)
      %dma_wait3A_160 = arith.constant 0 : i32
      %dma_wait3A_161 = arith.constant 0 : i32
      %dma_wait3A_162 = arith.constant 0 : i32
      %dma_wait3A_163 = tpu.memref_slice %arg6[%rem3A_135, %dma_wait3A_160, %dma_wait3A_161, %dma_wait3A_162] : memref<3x4x8x1024xf32, #tpu.memory_space<vmem>> -> memref<1x4x8x1024xf32, #tpu.memory_space<vmem>>
      %dma_wait3A_164 = tpu.memref_squeeze %dma_wait3A_163 : memref<1x4x8x1024xf32, #tpu.memory_space<vmem>> -> memref<4x8x1024xf32, #tpu.memory_space<vmem>>
      %dma_wait3A_165 = arith.constant 0 : i32
      %dma_wait3A_166 = arith.constant 0 : i32
      %dma_wait3A_167 = tpu.memref_slice %arg2[%dma_wait3A_165, %add3A_145, %dma_wait3A_166] : memref<4x8192x1024xf32, #tpu.memory_space<hbm>> -> memref<4x8x1024xf32, #tpu.memory_space<hbm>>
      %dma_wait3A_168 = tpu.memref_slice %arg7[%rem3A_135] : memref<3x!tpu.dma_semaphore, #tpu.memory_space<semaphore_mem>> -> memref<1x!tpu.dma_semaphore, #tpu.memory_space<semaphore_mem>>
      %dma_wait3A_169 = tpu.memref_squeeze %dma_wait3A_168 : memref<1x!tpu.dma_semaphore, #tpu.memory_space<semaphore_mem>> -> memref<!tpu.dma_semaphore, #tpu.memory_space<semaphore_mem>>
      %dma_wait3A_170 = arith.constant 0 : i32
      %dma_wait3A_171 = arith.constant 0 : i32
      %dma_wait3A_172 = arith.constant 0 : i32
      %dma_wait3A_173 = tpu.memref_slice %arg6[%rem3A_135, %dma_wait3A_170, %dma_wait3A_171, %dma_wait3A_172] : memref<3x4x8x1024xf32, #tpu.memory_space<vmem>> -> memref<1x4x8x1024xf32, #tpu.memory_space<vmem>>
      %dma_wait3A_174 = tpu.memref_squeeze %dma_wait3A_173 : memref<1x4x8x1024xf32, #tpu.memory_space<vmem>> -> memref<4x8x1024xf32, #tpu.memory_space<vmem>>
      %dma_wait3A_175 = arith.constant 0 : i32
      %dma_wait3A_176 = arith.constant 0 : i32
      %dma_wait3A_177 = tpu.memref_slice %arg2[%dma_wait3A_175, %add3A_145, %dma_wait3A_176] : memref<4x8192x1024xf32, #tpu.memory_space<hbm>> -> memref<4x8x1024xf32, #tpu.memory_space<hbm>>
      tpu.wait_dma2 semaphore(%dma_wait3A_169 : memref<!tpu.dma_semaphore, #tpu.memory_space<semaphore_mem>>) src(%dma_wait3A_177 : memref<4x8x1024xf32, #tpu.memory_space<hbm>>) dst(%dma_wait3A_174 : memref<4x8x1024xf32, #tpu.memory_space<vmem>>)
      %scan3A = arith.constant 0 : i32
      %scan3A_178 = arith.constant 8 : i32
      %scan3A_179 = arith.addi %scan3A, %scan3A_178 : i32
      %scan3A_180 = arith.constant 1 : i32
      scf.for %scan3A_203 = %scan3A to %scan3A_179 step %scan3A_180  : i32 {
        %mul3A_204 = arith.constant 1 : i32
        %mul3A_205 = arith.muli %scan3A_203, %mul3A_204 : i32
        %add3A_206 = arith.constant 0 : i32
        %add3A_207 = arith.addi %add3A_206, %mul3A_205 : i32
        %parallel_loop3A = arith.constant 0 : i32
        %parallel_loop3A_208 = arith.constant 64 : i32
        %parallel_loop3A_209 = arith.constant 1 : i32
        scf.for %parallel_loop3A_210 = %parallel_loop3A to %parallel_loop3A_208 step %parallel_loop3A_209  : i32 {
          %parallel_loop3A_211 = arith.constant 16 : i32
          %parallel_loop3A_212 = arith.muli %parallel_loop3A_210, %parallel_loop3A_211 : i32
          %parallel_loop3A_213 = arith.index_cast %rem3A_135 : i32 to index
          %parallel_loop3A_214 = arith.index_cast %add3A_207 : i32 to index
          %parallel_loop3A_215 = arith.index_cast %parallel_loop3A_212 : i32 to index
          %parallel_loop3A_216 = tpu.vector_load %arg5[%parallel_loop3A_213, %parallel_loop3A_214, %parallel_loop3A_215] {strides = array<i32>} : memref<3x8x1024xf32, #tpu.memory_space<vmem>>, vector<1x1x16xf32>,
          %parallel_loop3A_217 = vector.shape_cast %parallel_loop3A_216 : vector<1x1x16xf32> to vector<16xf32>
          %parallel_loop3A_218 = arith.constant 0 : i32
          %parallel_loop3A_219 = arith.index_cast %rem3A_135 : i32 to index
          %parallel_loop3A_220 = arith.index_cast %parallel_loop3A_218 : i32 to index
          %parallel_loop3A_221 = arith.index_cast %add3A_207 : i32 to index
          %parallel_loop3A_222 = arith.index_cast %parallel_loop3A_212 : i32 to index
          %parallel_loop3A_223 = tpu.vector_load %arg6[%parallel_loop3A_219, %parallel_loop3A_220, %parallel_loop3A_221, %parallel_loop3A_222] {strides = array<i32>} : memref<3x4x8x1024xf32, #tpu.memory_space<vmem>>, vector<1x1x1x16xf32>,
          %parallel_loop3A_224 = vector.shape_cast %parallel_loop3A_223 : vector<1x1x1x16xf32> to vector<16xf32>
          %parallel_loop3A_225 = vector.shape_cast %parallel_loop3A_217 : vector<16xf32> to vector<1x1x1x16xf32>
          tpu.vector_store %arg6[%parallel_loop3A_219, %parallel_loop3A_220, %parallel_loop3A_221, %parallel_loop3A_222], %parallel_loop3A_225 {add = true, strides = array<i32>} : memref<3x4x8x1024xf32, #tpu.memory_space<vmem>>, vector<1x1x1x16xf32>,
          %parallel_loop3A_226 = arith.constant 1 : i32
          %parallel_loop3A_227 = arith.index_cast %rem3A_135 : i32 to index
          %parallel_loop3A_228 = arith.index_cast %parallel_loop3A_226 : i32 to index
          %parallel_loop3A_229 = arith.index_cast %add3A_207 : i32 to index
          %parallel_loop3A_230 = arith.index_cast %parallel_loop3A_212 : i32 to index
          %parallel_loop3A_231 = tpu.vector_load %arg6[%parallel_loop3A_227, %parallel_loop3A_228, %parallel_loop3A_229, %parallel_loop3A_230] {strides = array<i32>} : memref<3x4x8x1024xf32, #tpu.memory_space<vmem>>, vector<1x1x1x16xf32>,
          %parallel_loop3A_232 = vector.shape_cast %parallel_loop3A_231 : vector<1x1x1x16xf32> to vector<16xf32>
          %parallel_loop3A_233 = vector.shape_cast %parallel_loop3A_217 : vector<16xf32> to vector<1x1x1x16xf32>
          tpu.vector_store %arg6[%parallel_loop3A_227, %parallel_loop3A_228, %parallel_loop3A_229, %parallel_loop3A_230], %parallel_loop3A_233 {add = true, strides = array<i32>} : memref<3x4x8x1024xf32, #tpu.memory_space<vmem>>, vector<1x1x1x16xf32>,
          %parallel_loop3A_234 = arith.constant 2 : i32
          %parallel_loop3A_235 = arith.index_cast %rem3A_135 : i32 to index
          %parallel_loop3A_236 = arith.index_cast %parallel_loop3A_234 : i32 to index
          %parallel_loop3A_237 = arith.index_cast %add3A_207 : i32 to index
          %parallel_loop3A_238 = arith.index_cast %parallel_loop3A_212 : i32 to index
          %parallel_loop3A_239 = tpu.vector_load %arg6[%parallel_loop3A_235, %parallel_loop3A_236, %parallel_loop3A_237, %parallel_loop3A_238] {strides = array<i32>} : memref<3x4x8x1024xf32, #tpu.memory_space<vmem>>, vector<1x1x1x16xf32>,
          %parallel_loop3A_240 = vector.shape_cast %parallel_loop3A_239 : vector<1x1x1x16xf32> to vector<16xf32>
          %parallel_loop3A_241 = vector.shape_cast %parallel_loop3A_217 : vector<16xf32> to vector<1x1x1x16xf32>
          tpu.vector_store %arg6[%parallel_loop3A_235, %parallel_loop3A_236, %parallel_loop3A_237, %parallel_loop3A_238], %parallel_loop3A_241 {add = true, strides = array<i32>} : memref<3x4x8x1024xf32, #tpu.memory_space<vmem>>, vector<1x1x1x16xf32>,
          %parallel_loop3A_242 = arith.constant 3 : i32
          %parallel_loop3A_243 = arith.index_cast %rem3A_135 : i32 to index
          %parallel_loop3A_244 = arith.index_cast %parallel_loop3A_242 : i32 to index
          %parallel_loop3A_245 = arith.index_cast %add3A_207 : i32 to index
          %parallel_loop3A_246 = arith.index_cast %parallel_loop3A_212 : i32 to index
          %parallel_loop3A_247 = tpu.vector_load %arg6[%parallel_loop3A_243, %parallel_loop3A_244, %parallel_loop3A_245, %parallel_loop3A_246] {strides = array<i32>} : memref<3x4x8x1024xf32, #tpu.memory_space<vmem>>, vector<1x1x1x16xf32>,
          %parallel_loop3A_248 = vector.shape_cast %parallel_loop3A_247 : vector<1x1x1x16xf32> to vector<16xf32>
          %parallel_loop3A_249 = vector.shape_cast %parallel_loop3A_217 : vector<16xf32> to vector<1x1x1x16xf32>
          tpu.vector_store %arg6[%parallel_loop3A_243, %parallel_loop3A_244, %parallel_loop3A_245, %parallel_loop3A_246], %parallel_loop3A_249 {add = true, strides = array<i32>} : memref<3x4x8x1024xf32, #tpu.memory_space<vmem>>, vector<1x1x1x16xf32>,
        } {sc.loop_unroll_factor = 16 : i64, sc.parallel_access}
      }
      %scan3A_181 = arith.constant 8 : i32
      %mul3A_182 = arith.constant 8 : i32
      %mul3A_183 = arith.muli %add3A_133, %mul3A_182 : i32
      %add3A_184 = arith.addi %add3A, %mul3A_183 : i32
      %dma_start3A_185 = arith.constant 0 : i32
      %dma_start3A_186 = arith.constant 0 : i32
      %dma_start3A_187 = arith.constant 0 : i32
      %dma_start3A_188 = tpu.memref_slice %arg6[%rem3A_135, %dma_start3A_185, %dma_start3A_186, %dma_start3A_187] : memref<3x4x8x1024xf32, #tpu.memory_space<vmem>> -> memref<1x4x8x1024xf32, #tpu.memory_space<vmem>>
      %dma_start3A_189 = tpu.memref_squeeze %dma_start3A_188 : memref<1x4x8x1024xf32, #tpu.memory_space<vmem>> -> memref<4x8x1024xf32, #tpu.memory_space<vmem>>
      %dma_start3A_190 = arith.constant 0 : i32
      %dma_start3A_191 = arith.constant 0 : i32
      %dma_start3A_192 = tpu.memref_slice %arg4[%dma_start3A_190, %add3A_184, %dma_start3A_191] : memref<4x8192x1024xf32, #tpu.memory_space<hbm>> -> memref<4x8x1024xf32, #tpu.memory_space<hbm>>
      %dma_start3A_193 = tpu.memref_slice %arg8[%rem3A_135] : memref<3x!tpu.dma_semaphore, #tpu.memory_space<semaphore_mem>> -> memref<1x!tpu.dma_semaphore, #tpu.memory_space<semaphore_mem>>
      %dma_start3A_194 = tpu.memref_squeeze %dma_start3A_193 : memref<1x!tpu.dma_semaphore, #tpu.memory_space<semaphore_mem>> -> memref<!tpu.dma_semaphore, #tpu.memory_space<semaphore_mem>>
      %dma_start3A_195 = arith.constant 0 : i32
      %dma_start3A_196 = arith.constant 0 : i32
      %dma_start3A_197 = tpu.memref_slice %arg4[%dma_start3A_195, %add3A_184, %dma_start3A_196] : memref<4x8192x1024xf32, #tpu.memory_space<hbm>> -> memref<4x8x1024xf32, #tpu.memory_space<hbm>>
      %dma_start3A_198 = arith.constant 0 : i32
      %dma_start3A_199 = arith.constant 0 : i32
      %dma_start3A_200 = arith.constant 0 : i32
      %dma_start3A_201 = tpu.memref_slice %arg6[%rem3A_135, %dma_start3A_198, %dma_start3A_199, %dma_start3A_200] : memref<3x4x8x1024xf32, #tpu.memory_space<vmem>> -> memref<1x4x8x1024xf32, #tpu.memory_space<vmem>>
      %dma_start3A_202 = tpu.memref_squeeze %dma_start3A_201 : memref<1x4x8x1024xf32, #tpu.memory_space<vmem>> -> memref<4x8x1024xf32, #tpu.memory_space<vmem>>
      tpu.enqueue_dma source(%dma_start3A_202 : memref<4x8x1024xf32, #tpu.memory_space<vmem>>) target(%dma_start3A_197 : memref<4x8x1024xf32, #tpu.memory_space<hbm>>) target_semaphore(%dma_start3A_194 : memref<!tpu.dma_semaphore, #tpu.memory_space<semaphore_mem>>)
    }
    %while3A_57 = arith.constant 1 : i32
    scf.for %while3A_131 = %while3A_55 to %while3A_51 step %while3A_57  : i32 {
      %mul3A_132 = arith.muli %while3A_131, %while3A : i32
      %add3A_133 = arith.addi %while3A_48, %mul3A_132 : i32
      %rem3A_134 = arith.constant 3 : i32
      %rem3A_135 = arith.remsi %add3A_133, %rem3A_134 : i32
      %add3A_136 = arith.constant 1 : i32
      %add3A_137 = arith.addi %add3A_133, %add3A_136 : i32
      %rem3A_138 = arith.constant 3 : i32
      %rem3A_139 = arith.remsi %add3A_137, %rem3A_138 : i32
      %add3A_140 = arith.constant 1 : i32
      %add3A_141 = arith.addi %add3A_133, %add3A_140 : i32
      %lt3A = arith.cmpi slt, %add3A_141, %select_n3A : i32
      %convert_element_type3A = arith.extui %lt3A : i1 to i32
      %cond3A = arith.constant 0 : i32
      %cond3A_142 = arith.cmpi ne, %convert_element_type3A, %cond3A : i32
      scf.if %cond3A_142 {
        %ge3A = arith.constant 2 : i32
        %ge3A_203 = arith.cmpi sge, %add3A_133, %ge3A : i32
        %convert_element_type3A_204 = arith.extui %ge3A_203 : i1 to i32
        %cond3A_205 = arith.constant 0 : i32
        %cond3A_206 = arith.cmpi ne, %convert_element_type3A_204, %cond3A_205 : i32
        scf.if %cond3A_206 {
          %sub3A_244 = arith.constant 2 : i32
          %sub3A_245 = arith.subi %add3A_133, %sub3A_244 : i32
          %mul3A_246 = arith.constant 8 : i32
          %mul3A_247 = arith.muli %sub3A_245, %mul3A_246 : i32
          %add3A_248 = arith.addi %add3A, %mul3A_247 : i32
          %dma_wait3A_249 = arith.constant 0 : i32
          %dma_wait3A_250 = arith.constant 0 : i32
          %dma_wait3A_251 = arith.constant 0 : i32
          %dma_wait3A_252 = tpu.memref_slice %arg6[%rem3A_139, %dma_wait3A_249, %dma_wait3A_250, %dma_wait3A_251] : memref<3x4x8x1024xf32, #tpu.memory_space<vmem>> -> memref<1x4x8x1024xf32, #tpu.memory_space<vmem>>
          %dma_wait3A_253 = tpu.memref_squeeze %dma_wait3A_252 : memref<1x4x8x1024xf32, #tpu.memory_space<vmem>> -> memref<4x8x1024xf32, #tpu.memory_space<vmem>>
          %dma_wait3A_254 = arith.constant 0 : i32
          %dma_wait3A_255 = arith.constant 0 : i32
          %dma_wait3A_256 = tpu.memref_slice %arg4[%dma_wait3A_254, %add3A_248, %dma_wait3A_255] : memref<4x8192x1024xf32, #tpu.memory_space<hbm>> -> memref<4x8x1024xf32, #tpu.memory_space<hbm>>
          %dma_wait3A_257 = tpu.memref_slice %arg8[%rem3A_139] : memref<3x!tpu.dma_semaphore, #tpu.memory_space<semaphore_mem>> -> memref<1x!tpu.dma_semaphore, #tpu.memory_space<semaphore_mem>>
          %dma_wait3A_258 = tpu.memref_squeeze %dma_wait3A_257 : memref<1x!tpu.dma_semaphore, #tpu.memory_space<semaphore_mem>> -> memref<!tpu.dma_semaphore, #tpu.memory_space<semaphore_mem>>
          %dma_wait3A_259 = arith.constant 0 : i32
          %dma_wait3A_260 = arith.constant 0 : i32
          %dma_wait3A_261 = tpu.memref_slice %arg4[%dma_wait3A_259, %add3A_248, %dma_wait3A_260] : memref<4x8192x1024xf32, #tpu.memory_space<hbm>> -> memref<4x8x1024xf32, #tpu.memory_space<hbm>>
          %dma_wait3A_262 = arith.constant 0 : i32
          %dma_wait3A_263 = arith.constant 0 : i32
          %dma_wait3A_264 = arith.constant 0 : i32
          %dma_wait3A_265 = tpu.memref_slice %arg6[%rem3A_139, %dma_wait3A_262, %dma_wait3A_263, %dma_wait3A_264] : memref<3x4x8x1024xf32, #tpu.memory_space<vmem>> -> memref<1x4x8x1024xf32, #tpu.memory_space<vmem>>
          %dma_wait3A_266 = tpu.memref_squeeze %dma_wait3A_265 : memref<1x4x8x1024xf32, #tpu.memory_space<vmem>> -> memref<4x8x1024xf32, #tpu.memory_space<vmem>>
          tpu.wait_dma2 semaphore(%dma_wait3A_258 : memref<!tpu.dma_semaphore, #tpu.memory_space<semaphore_mem>>) src(%dma_wait3A_266 : memref<4x8x1024xf32, #tpu.memory_space<vmem>>) dst(%dma_wait3A_261 : memref<4x8x1024xf32, #tpu.memory_space<hbm>>)
        } else {
        }
        %add3A_207 = arith.constant 1 : i32
        %add3A_208 = arith.addi %add3A_133, %add3A_207 : i32
        %mul3A_209 = arith.constant 8 : i32
        %mul3A_210 = arith.muli %add3A_208, %mul3A_209 : i32
        %add3A_211 = arith.addi %add3A, %mul3A_210 : i32
        %dma_start3A_212 = arith.constant 0 : i32
        %dma_start3A_213 = arith.constant 0 : i32
        %dma_start3A_214 = tpu.memref_slice %arg5[%rem3A_139, %dma_start3A_212, %dma_start3A_213] : memref<3x8x1024xf32, #tpu.memory_space<vmem>> -> memref<1x8x1024xf32, #tpu.memory_space<vmem>>
        %dma_start3A_215 = tpu.memref_squeeze %dma_start3A_214 : memref<1x8x1024xf32, #tpu.memory_space<vmem>> -> memref<8x1024xf32, #tpu.memory_space<vmem>>
        %dma_start3A_216 = arith.constant 0 : i32
        %dma_start3A_217 = tpu.memref_slice %arg3[%add3A_211, %dma_start3A_216] : memref<8192x1024xf32, #tpu.memory_space<hbm>> -> memref<8x1024xf32, #tpu.memory_space<hbm>>
        %dma_start3A_218 = tpu.memref_slice %arg7[%rem3A_139] : memref<3x!tpu.dma_semaphore, #tpu.memory_space<semaphore_mem>> -> memref<1x!tpu.dma_semaphore, #tpu.memory_space<semaphore_mem>>
        %dma_start3A_219 = tpu.memref_squeeze %dma_start3A_218 : memref<1x!tpu.dma_semaphore, #tpu.memory_space<semaphore_mem>> -> memref<!tpu.dma_semaphore, #tpu.memory_space<semaphore_mem>>
        %dma_start3A_220 = arith.constant 0 : i32
        %dma_start3A_221 = arith.constant 0 : i32
        %dma_start3A_222 = tpu.memref_slice %arg5[%rem3A_139, %dma_start3A_220, %dma_start3A_221] : memref<3x8x1024xf32, #tpu.memory_space<vmem>> -> memref<1x8x1024xf32, #tpu.memory_space<vmem>>
        %dma_start3A_223 = tpu.memref_squeeze %dma_start3A_222 : memref<1x8x1024xf32, #tpu.memory_space<vmem>> -> memref<8x1024xf32, #tpu.memory_space<vmem>>
        %dma_start3A_224 = arith.constant 0 : i32
        %dma_start3A_225 = tpu.memref_slice %arg3[%add3A_211, %dma_start3A_224] : memref<8192x1024xf32, #tpu.memory_space<hbm>> -> memref<8x1024xf32, #tpu.memory_space<hbm>>
        tpu.enqueue_dma source(%dma_start3A_225 : memref<8x1024xf32, #tpu.memory_space<hbm>>) target(%dma_start3A_223 : memref<8x1024xf32, #tpu.memory_space<vmem>>) target_semaphore(%dma_start3A_219 : memref<!tpu.dma_semaphore, #tpu.memory_space<semaphore_mem>>)
        %dma_start3A_226 = arith.constant 0 : i32
        %dma_start3A_227 = arith.constant 0 : i32
        %dma_start3A_228 = arith.constant 0 : i32
        %dma_start3A_229 = tpu.memref_slice %arg6[%rem3A_139, %dma_start3A_226, %dma_start3A_227, %dma_start3A_228] : memref<3x4x8x1024xf32, #tpu.memory_space<vmem>> -> memref<1x4x8x1024xf32, #tpu.memory_space<vmem>>
        %dma_start3A_230 = tpu.memref_squeeze %dma_start3A_229 : memref<1x4x8x1024xf32, #tpu.memory_space<vmem>> -> memref<4x8x1024xf32, #tpu.memory_space<vmem>>
        %dma_start3A_231 = arith.constant 0 : i32
        %dma_start3A_232 = arith.constant 0 : i32
        %dma_start3A_233 = tpu.memref_slice %arg2[%dma_start3A_231, %add3A_211, %dma_start3A_232] : memref<4x8192x1024xf32, #tpu.memory_space<hbm>> -> memref<4x8x1024xf32, #tpu.memory_space<hbm>>
        %dma_start3A_234 = tpu.memref_slice %arg7[%rem3A_139] : memref<3x!tpu.dma_semaphore, #tpu.memory_space<semaphore_mem>> -> memref<1x!tpu.dma_semaphore, #tpu.memory_space<semaphore_mem>>
        %dma_start3A_235 = tpu.memref_squeeze %dma_start3A_234 : memref<1x!tpu.dma_semaphore, #tpu.memory_space<semaphore_mem>> -> memref<!tpu.dma_semaphore, #tpu.memory_space<semaphore_mem>>
        %dma_start3A_236 = arith.constant 0 : i32
        %dma_start3A_237 = arith.constant 0 : i32
        %dma_start3A_238 = arith.constant 0 : i32
        %dma_start3A_239 = tpu.memref_slice %arg6[%rem3A_139, %dma_start3A_236, %dma_start3A_237, %dma_start3A_238] : memref<3x4x8x1024xf32, #tpu.memory_space<vmem>> -> memref<1x4x8x1024xf32, #tpu.memory_space<vmem>>
        %dma_start3A_240 = tpu.memref_squeeze %dma_start3A_239 : memref<1x4x8x1024xf32, #tpu.memory_space<vmem>> -> memref<4x8x1024xf32, #tpu.memory_space<vmem>>
        %dma_start3A_241 = arith.constant 0 : i32
        %dma_start3A_242 = arith.constant 0 : i32
        %dma_start3A_243 = tpu.memref_slice %arg2[%dma_start3A_241, %add3A_211, %dma_start3A_242] : memref<4x8192x1024xf32, #tpu.memory_space<hbm>> -> memref<4x8x1024xf32, #tpu.memory_space<hbm>>
        tpu.enqueue_dma source(%dma_start3A_243 : memref<4x8x1024xf32, #tpu.memory_space<hbm>>) target(%dma_start3A_240 : memref<4x8x1024xf32, #tpu.memory_space<vmem>>) target_semaphore(%dma_start3A_235 : memref<!tpu.dma_semaphore, #tpu.memory_space<semaphore_mem>>)
      } else {
      }
      %mul3A_143 = arith.constant 8 : i32
      %mul3A_144 = arith.muli %add3A_133, %mul3A_143 : i32
      %add3A_145 = arith.addi %add3A, %mul3A_144 : i32
      %dma_wait3A_146 = arith.constant 0 : i32
      %dma_wait3A_147 = arith.constant 0 : i32
      %dma_wait3A_148 = tpu.memref_slice %arg5[%rem3A_135, %dma_wait3A_146, %dma_wait3A_147] : memref<3x8x1024xf32, #tpu.memory_space<vmem>> -> memref<1x8x1024xf32, #tpu.memory_space<vmem>>
      %dma_wait3A_149 = tpu.memref_squeeze %dma_wait3A_148 : memref<1x8x1024xf32, #tpu.memory_space<vmem>> -> memref<8x1024xf32, #tpu.memory_space<vmem>>
      %dma_wait3A_150 = arith.constant 0 : i32
      %dma_wait3A_151 = tpu.memref_slice %arg3[%add3A_145, %dma_wait3A_150] : memref<8192x1024xf32, #tpu.memory_space<hbm>> -> memref<8x1024xf32, #tpu.memory_space<hbm>>
      %dma_wait3A_152 = tpu.memref_slice %arg7[%rem3A_135] : memref<3x!tpu.dma_semaphore, #tpu.memory_space<semaphore_mem>> -> memref<1x!tpu.dma_semaphore, #tpu.memory_space<semaphore_mem>>
      %dma_wait3A_153 = tpu.memref_squeeze %dma_wait3A_152 : memref<1x!tpu.dma_semaphore, #tpu.memory_space<semaphore_mem>> -> memref<!tpu.dma_semaphore, #tpu.memory_space<semaphore_mem>>
      %dma_wait3A_154 = arith.constant 0 : i32
      %dma_wait3A_155 = arith.constant 0 : i32
      %dma_wait3A_156 = tpu.memref_slice %arg5[%rem3A_135, %dma_wait3A_154, %dma_wait3A_155] : memref<3x8x1024xf32, #tpu.memory_space<vmem>> -> memref<1x8x1024xf32, #tpu.memory_space<vmem>>
      %dma_wait3A_157 = tpu.memref_squeeze %dma_wait3A_156 : memref<1x8x1024xf32, #tpu.memory_space<vmem>> -> memref<8x1024xf32, #tpu.memory_space<vmem>>
      %dma_wait3A_158 = arith.constant 0 : i32
      %dma_wait3A_159 = tpu.memref_slice %arg3[%add3A_145, %dma_wait3A_158] : memref<8192x1024xf32, #tpu.memory_space<hbm>> -> memref<8x1024xf32, #tpu.memory_space<hbm>>
      tpu.wait_dma2 semaphore(%dma_wait3A_153 : memref<!tpu.dma_semaphore, #tpu.memory_space<semaphore_mem>>) src(%dma_wait3A_159 : memref<8x1024xf32, #tpu.memory_space<hbm>>) dst(%dma_wait3A_157 : memref<8x1024xf32, #tpu.memory_space<vmem>>)
      %dma_wait3A_160 = arith.constant 0 : i32
      %dma_wait3A_161 = arith.constant 0 : i32
      %dma_wait3A_162 = arith.constant 0 : i32
      %dma_wait3A_163 = tpu.memref_slice %arg6[%rem3A_135, %dma_wait3A_160, %dma_wait3A_161, %dma_wait3A_162] : memref<3x4x8x1024xf32, #tpu.memory_space<vmem>> -> memref<1x4x8x1024xf32, #tpu.memory_space<vmem>>
      %dma_wait3A_164 = tpu.memref_squeeze %dma_wait3A_163 : memref<1x4x8x1024xf32, #tpu.memory_space<vmem>> -> memref<4x8x1024xf32, #tpu.memory_space<vmem>>
      %dma_wait3A_165 = arith.constant 0 : i32
      %dma_wait3A_166 = arith.constant 0 : i32
      %dma_wait3A_167 = tpu.memref_slice %arg2[%dma_wait3A_165, %add3A_145, %dma_wait3A_166] : memref<4x8192x1024xf32, #tpu.memory_space<hbm>> -> memref<4x8x1024xf32, #tpu.memory_space<hbm>>
      %dma_wait3A_168 = tpu.memref_slice %arg7[%rem3A_135] : memref<3x!tpu.dma_semaphore, #tpu.memory_space<semaphore_mem>> -> memref<1x!tpu.dma_semaphore, #tpu.memory_space<semaphore_mem>>
      %dma_wait3A_169 = tpu.memref_squeeze %dma_wait3A_168 : memref<1x!tpu.dma_semaphore, #tpu.memory_space<semaphore_mem>> -> memref<!tpu.dma_semaphore, #tpu.memory_space<semaphore_mem>>
      %dma_wait3A_170 = arith.constant 0 : i32
      %dma_wait3A_171 = arith.constant 0 : i32
      %dma_wait3A_172 = arith.constant 0 : i32
      %dma_wait3A_173 = tpu.memref_slice %arg6[%rem3A_135, %dma_wait3A_170, %dma_wait3A_171, %dma_wait3A_172] : memref<3x4x8x1024xf32, #tpu.memory_space<vmem>> -> memref<1x4x8x1024xf32, #tpu.memory_space<vmem>>
      %dma_wait3A_174 = tpu.memref_squeeze %dma_wait3A_173 : memref<1x4x8x1024xf32, #tpu.memory_space<vmem>> -> memref<4x8x1024xf32, #tpu.memory_space<vmem>>
      %dma_wait3A_175 = arith.constant 0 : i32
      %dma_wait3A_176 = arith.constant 0 : i32
      %dma_wait3A_177 = tpu.memref_slice %arg2[%dma_wait3A_175, %add3A_145, %dma_wait3A_176] : memref<4x8192x1024xf32, #tpu.memory_space<hbm>> -> memref<4x8x1024xf32, #tpu.memory_space<hbm>>
      tpu.wait_dma2 semaphore(%dma_wait3A_169 : memref<!tpu.dma_semaphore, #tpu.memory_space<semaphore_mem>>) src(%dma_wait3A_177 : memref<4x8x1024xf32, #tpu.memory_space<hbm>>) dst(%dma_wait3A_174 : memref<4x8x1024xf32, #tpu.memory_space<vmem>>)
      %scan3A = arith.constant 0 : i32
      %scan3A_178 = arith.constant 8 : i32
      %scan3A_179 = arith.addi %scan3A, %scan3A_178 : i32
      %scan3A_180 = arith.constant 1 : i32
      scf.for %scan3A_203 = %scan3A to %scan3A_179 step %scan3A_180  : i32 {
        %mul3A_204 = arith.constant 1 : i32
        %mul3A_205 = arith.muli %scan3A_203, %mul3A_204 : i32
        %add3A_206 = arith.constant 0 : i32
        %add3A_207 = arith.addi %add3A_206, %mul3A_205 : i32
        %parallel_loop3A = arith.constant 0 : i32
        %parallel_loop3A_208 = arith.constant 64 : i32
        %parallel_loop3A_209 = arith.constant 1 : i32
        scf.for %parallel_loop3A_210 = %parallel_loop3A to %parallel_loop3A_208 step %parallel_loop3A_209  : i32 {
          %parallel_loop3A_211 = arith.constant 16 : i32
          %parallel_loop3A_212 = arith.muli %parallel_loop3A_210, %parallel_loop3A_211 : i32
          %parallel_loop3A_213 = arith.index_cast %rem3A_135 : i32 to index
          %parallel_loop3A_214 = arith.index_cast %add3A_207 : i32 to index
          %parallel_loop3A_215 = arith.index_cast %parallel_loop3A_212 : i32 to index
          %parallel_loop3A_216 = tpu.vector_load %arg5[%parallel_loop3A_213, %parallel_loop3A_214, %parallel_loop3A_215] {strides = array<i32>} : memref<3x8x1024xf32, #tpu.memory_space<vmem>>, vector<1x1x16xf32>,
          %parallel_loop3A_217 = vector.shape_cast %parallel_loop3A_216 : vector<1x1x16xf32> to vector<16xf32>
          %parallel_loop3A_218 = arith.constant 0 : i32
          %parallel_loop3A_219 = arith.index_cast %rem3A_135 : i32 to index
          %parallel_loop3A_220 = arith.index_cast %parallel_loop3A_218 : i32 to index
          %parallel_loop3A_221 = arith.index_cast %add3A_207 : i32 to index
          %parallel_loop3A_222 = arith.index_cast %parallel_loop3A_212 : i32 to index
          %parallel_loop3A_223 = tpu.vector_load %arg6[%parallel_loop3A_219, %parallel_loop3A_220, %parallel_loop3A_221, %parallel_loop3A_222] {strides = array<i32>} : memref<3x4x8x1024xf32, #tpu.memory_space<vmem>>, vector<1x1x1x16xf32>,
          %parallel_loop3A_224 = vector.shape_cast %parallel_loop3A_223 : vector<1x1x1x16xf32> to vector<16xf32>
          %parallel_loop3A_225 = vector.shape_cast %parallel_loop3A_217 : vector<16xf32> to vector<1x1x1x16xf32>
          tpu.vector_store %arg6[%parallel_loop3A_219, %parallel_loop3A_220, %parallel_loop3A_221, %parallel_loop3A_222], %parallel_loop3A_225 {add = true, strides = array<i32>} : memref<3x4x8x1024xf32, #tpu.memory_space<vmem>>, vector<1x1x1x16xf32>,
          %parallel_loop3A_226 = arith.constant 1 : i32
          %parallel_loop3A_227 = arith.index_cast %rem3A_135 : i32 to index
          %parallel_loop3A_228 = arith.index_cast %parallel_loop3A_226 : i32 to index
          %parallel_loop3A_229 = arith.index_cast %add3A_207 : i32 to index
          %parallel_loop3A_230 = arith.index_cast %parallel_loop3A_212 : i32 to index
          %parallel_loop3A_231 = tpu.vector_load %arg6[%parallel_loop3A_227, %parallel_loop3A_228, %parallel_loop3A_229, %parallel_loop3A_230] {strides = array<i32>} : memref<3x4x8x1024xf32, #tpu.memory_space<vmem>>, vector<1x1x1x16xf32>,
          %parallel_loop3A_232 = vector.shape_cast %parallel_loop3A_231 : vector<1x1x1x16xf32> to vector<16xf32>
          %parallel_loop3A_233 = vector.shape_cast %parallel_loop3A_217 : vector<16xf32> to vector<1x1x1x16xf32>
          tpu.vector_store %arg6[%parallel_loop3A_227, %parallel_loop3A_228, %parallel_loop3A_229, %parallel_loop3A_230], %parallel_loop3A_233 {add = true, strides = array<i32>} : memref<3x4x8x1024xf32, #tpu.memory_space<vmem>>, vector<1x1x1x16xf32>,
          %parallel_loop3A_234 = arith.constant 2 : i32
          %parallel_loop3A_235 = arith.index_cast %rem3A_135 : i32 to index
          %parallel_loop3A_236 = arith.index_cast %parallel_loop3A_234 : i32 to index
          %parallel_loop3A_237 = arith.index_cast %add3A_207 : i32 to index
          %parallel_loop3A_238 = arith.index_cast %parallel_loop3A_212 : i32 to index
          %parallel_loop3A_239 = tpu.vector_load %arg6[%parallel_loop3A_235, %parallel_loop3A_236, %parallel_loop3A_237, %parallel_loop3A_238] {strides = array<i32>} : memref<3x4x8x1024xf32, #tpu.memory_space<vmem>>, vector<1x1x1x16xf32>,
          %parallel_loop3A_240 = vector.shape_cast %parallel_loop3A_239 : vector<1x1x1x16xf32> to vector<16xf32>
          %parallel_loop3A_241 = vector.shape_cast %parallel_loop3A_217 : vector<16xf32> to vector<1x1x1x16xf32>
          tpu.vector_store %arg6[%parallel_loop3A_235, %parallel_loop3A_236, %parallel_loop3A_237, %parallel_loop3A_238], %parallel_loop3A_241 {add = true, strides = array<i32>} : memref<3x4x8x1024xf32, #tpu.memory_space<vmem>>, vector<1x1x1x16xf32>,
          %parallel_loop3A_242 = arith.constant 3 : i32
          %parallel_loop3A_243 = arith.index_cast %rem3A_135 : i32 to index
          %parallel_loop3A_244 = arith.index_cast %parallel_loop3A_242 : i32 to index
          %parallel_loop3A_245 = arith.index_cast %add3A_207 : i32 to index
          %parallel_loop3A_246 = arith.index_cast %parallel_loop3A_212 : i32 to index
          %parallel_loop3A_247 = tpu.vector_load %arg6[%parallel_loop3A_243, %parallel_loop3A_244, %parallel_loop3A_245, %parallel_loop3A_246] {strides = array<i32>} : memref<3x4x8x1024xf32, #tpu.memory_space<vmem>>, vector<1x1x1x16xf32>,
          %parallel_loop3A_248 = vector.shape_cast %parallel_loop3A_247 : vector<1x1x1x16xf32> to vector<16xf32>
          %parallel_loop3A_249 = vector.shape_cast %parallel_loop3A_217 : vector<16xf32> to vector<1x1x1x16xf32>
          tpu.vector_store %arg6[%parallel_loop3A_243, %parallel_loop3A_244, %parallel_loop3A_245, %parallel_loop3A_246], %parallel_loop3A_249 {add = true, strides = array<i32>} : memref<3x4x8x1024xf32, #tpu.memory_space<vmem>>, vector<1x1x1x16xf32>,
        } {sc.loop_unroll_factor = 16 : i64, sc.parallel_access}
      }
      %scan3A_181 = arith.constant 8 : i32
      %mul3A_182 = arith.constant 8 : i32
      %mul3A_183 = arith.muli %add3A_133, %mul3A_182 : i32
      %add3A_184 = arith.addi %add3A, %mul3A_183 : i32
      %dma_start3A_185 = arith.constant 0 : i32
      %dma_start3A_186 = arith.constant 0 : i32
      %dma_start3A_187 = arith.constant 0 : i32
      %dma_start3A_188 = tpu.memref_slice %arg6[%rem3A_135, %dma_start3A_185, %dma_start3A_186, %dma_start3A_187] : memref<3x4x8x1024xf32, #tpu.memory_space<vmem>> -> memref<1x4x8x1024xf32, #tpu.memory_space<vmem>>
      %dma_start3A_189 = tpu.memref_squeeze %dma_start3A_188 : memref<1x4x8x1024xf32, #tpu.memory_space<vmem>> -> memref<4x8x1024xf32, #tpu.memory_space<vmem>>
      %dma_start3A_190 = arith.constant 0 : i32
      %dma_start3A_191 = arith.constant 0 : i32
      %dma_start3A_192 = tpu.memref_slice %arg4[%dma_start3A_190, %add3A_184, %dma_start3A_191] : memref<4x8192x1024xf32, #tpu.memory_space<hbm>> -> memref<4x8x1024xf32, #tpu.memory_space<hbm>>
      %dma_start3A_193 = tpu.memref_slice %arg8[%rem3A_135] : memref<3x!tpu.dma_semaphore, #tpu.memory_space<semaphore_mem>> -> memref<1x!tpu.dma_semaphore, #tpu.memory_space<semaphore_mem>>
      %dma_start3A_194 = tpu.memref_squeeze %dma_start3A_193 : memref<1x!tpu.dma_semaphore, #tpu.memory_space<semaphore_mem>> -> memref<!tpu.dma_semaphore, #tpu.memory_space<semaphore_mem>>
      %dma_start3A_195 = arith.constant 0 : i32
      %dma_start3A_196 = arith.constant 0 : i32
      %dma_start3A_197 = tpu.memref_slice %arg4[%dma_start3A_195, %add3A_184, %dma_start3A_196] : memref<4x8192x1024xf32, #tpu.memory_space<hbm>> -> memref<4x8x1024xf32, #tpu.memory_space<hbm>>
      %dma_start3A_198 = arith.constant 0 : i32
      %dma_start3A_199 = arith.constant 0 : i32
      %dma_start3A_200 = arith.constant 0 : i32
      %dma_start3A_201 = tpu.memref_slice %arg6[%rem3A_135, %dma_start3A_198, %dma_start3A_199, %dma_start3A_200] : memref<3x4x8x1024xf32, #tpu.memory_space<vmem>> -> memref<1x4x8x1024xf32, #tpu.memory_space<vmem>>
      %dma_start3A_202 = tpu.memref_squeeze %dma_start3A_201 : memref<1x4x8x1024xf32, #tpu.memory_space<vmem>> -> memref<4x8x1024xf32, #tpu.memory_space<vmem>>
      tpu.enqueue_dma source(%dma_start3A_202 : memref<4x8x1024xf32, #tpu.memory_space<vmem>>) target(%dma_start3A_197 : memref<4x8x1024xf32, #tpu.memory_space<hbm>>) target_semaphore(%dma_start3A_194 : memref<!tpu.dma_semaphore, #tpu.memory_space<semaphore_mem>>)
    }
    %sub3A_58 = arith.constant 3 : i32
    %sub3A_59 = arith.subi %select_n3A, %sub3A_58 : i32
    %rem3A = arith.constant 3 : i32
    %rem3A_60 = arith.remsi %sub3A_59, %rem3A : i32
    %mul3A_61 = arith.constant 8 : i32
    %mul3A_62 = arith.muli %sub3A_59, %mul3A_61 : i32
    %add3A_63 = arith.addi %add3A, %mul3A_62 : i32
    %dma_wait3A = arith.constant 0 : i32
    %dma_wait3A_64 = arith.constant 0 : i32
    %dma_wait3A_65 = arith.constant 0 : i32
    %dma_wait3A_66 = tpu.memref_slice %arg6[%rem3A_60, %dma_wait3A, %dma_wait3A_64, %dma_wait3A_65] : memref<3x4x8x1024xf32, #tpu.memory_space<vmem>> -> memref<1x4x8x1024xf32, #tpu.memory_space<vmem>>
    %dma_wait3A_67 = tpu.memref_squeeze %dma_wait3A_66 : memref<1x4x8x1024xf32, #tpu.memory_space<vmem>> -> memref<4x8x1024xf32, #tpu.memory_space<vmem>>
    %dma_wait3A_68 = arith.constant 0 : i32
    %dma_wait3A_69 = arith.constant 0 : i32
    %dma_wait3A_70 = tpu.memref_slice %arg4[%dma_wait3A_68, %add3A_63, %dma_wait3A_69] : memref<4x8192x1024xf32, #tpu.memory_space<hbm>> -> memref<4x8x1024xf32, #tpu.memory_space<hbm>>
    %dma_wait3A_71 = tpu.memref_slice %arg8[%rem3A_60] : memref<3x!tpu.dma_semaphore, #tpu.memory_space<semaphore_mem>> -> memref<1x!tpu.dma_semaphore, #tpu.memory_space<semaphore_mem>>
    %dma_wait3A_72 = tpu.memref_squeeze %dma_wait3A_71 : memref<1x!tpu.dma_semaphore, #tpu.memory_space<semaphore_mem>> -> memref<!tpu.dma_semaphore, #tpu.memory_space<semaphore_mem>>
    %dma_wait3A_73 = arith.constant 0 : i32
    %dma_wait3A_74 = arith.constant 0 : i32
    %dma_wait3A_75 = tpu.memref_slice %arg4[%dma_wait3A_73, %add3A_63, %dma_wait3A_74] : memref<4x8192x1024xf32, #tpu.memory_space<hbm>> -> memref<4x8x1024xf32, #tpu.memory_space<hbm>>
    %dma_wait3A_76 = arith.constant 0 : i32
    %dma_wait3A_77 = arith.constant 0 : i32
    %dma_wait3A_78 = arith.constant 0 : i32
    %dma_wait3A_79 = tpu.memref_slice %arg6[%rem3A_60, %dma_wait3A_76, %dma_wait3A_77, %dma_wait3A_78] : memref<3x4x8x1024xf32, #tpu.memory_space<vmem>> -> memref<1x4x8x1024xf32, #tpu.memory_space<vmem>>
    %dma_wait3A_80 = tpu.memref_squeeze %dma_wait3A_79 : memref<1x4x8x1024xf32, #tpu.memory_space<vmem>> -> memref<4x8x1024xf32, #tpu.memory_space<vmem>>
    tpu.wait_dma2 semaphore(%dma_wait3A_72 : memref<!tpu.dma_semaphore, #tpu.memory_space<semaphore_mem>>) src(%dma_wait3A_80 : memref<4x8x1024xf32, #tpu.memory_space<vmem>>) dst(%dma_wait3A_75 : memref<4x8x1024xf32, #tpu.memory_space<hbm>>)
    %sub3A_81 = arith.constant 2 : i32
    %sub3A_82 = arith.subi %select_n3A, %sub3A_81 : i32
    %rem3A_83 = arith.constant 3 : i32
    %rem3A_84 = arith.remsi %sub3A_82, %rem3A_83 : i32
    %mul3A_85 = arith.constant 8 : i32
    %mul3A_86 = arith.muli %sub3A_82, %mul3A_85 : i32
    %add3A_87 = arith.addi %add3A, %mul3A_86 : i32
    %dma_wait3A_88 = arith.constant 0 : i32
    %dma_wait3A_89 = arith.constant 0 : i32
    %dma_wait3A_90 = arith.constant 0 : i32
    %dma_wait3A_91 = tpu.memref_slice %arg6[%rem3A_84, %dma_wait3A_88, %dma_wait3A_89, %dma_wait3A_90] : memref<3x4x8x1024xf32, #tpu.memory_space<vmem>> -> memref<1x4x8x1024xf32, #tpu.memory_space<vmem>>
    %dma_wait3A_92 = tpu.memref_squeeze %dma_wait3A_91 : memref<1x4x8x1024xf32, #tpu.memory_space<vmem>> -> memref<4x8x1024xf32, #tpu.memory_space<vmem>>
    %dma_wait3A_93 = arith.constant 0 : i32
    %dma_wait3A_94 = arith.constant 0 : i32
    %dma_wait3A_95 = tpu.memref_slice %arg4[%dma_wait3A_93, %add3A_87, %dma_wait3A_94] : memref<4x8192x1024xf32, #tpu.memory_space<hbm>> -> memref<4x8x1024xf32, #tpu.memory_space<hbm>>
    %dma_wait3A_96 = tpu.memref_slice %arg8[%rem3A_84] : memref<3x!tpu.dma_semaphore, #tpu.memory_space<semaphore_mem>> -> memref<1x!tpu.dma_semaphore, #tpu.memory_space<semaphore_mem>>
    %dma_wait3A_97 = tpu.memref_squeeze %dma_wait3A_96 : memref<1x!tpu.dma_semaphore, #tpu.memory_space<semaphore_mem>> -> memref<!tpu.dma_semaphore, #tpu.memory_space<semaphore_mem>>
    %dma_wait3A_98 = arith.constant 0 : i32
    %dma_wait3A_99 = arith.constant 0 : i32
    %dma_wait3A_100 = tpu.memref_slice %arg4[%dma_wait3A_98, %add3A_87, %dma_wait3A_99] : memref<4x8192x1024xf32, #tpu.memory_space<hbm>> -> memref<4x8x1024xf32, #tpu.memory_space<hbm>>
    %dma_wait3A_101 = arith.constant 0 : i32
    %dma_wait3A_102 = arith.constant 0 : i32
    %dma_wait3A_103 = arith.constant 0 : i32
    %dma_wait3A_104 = tpu.memref_slice %arg6[%rem3A_84, %dma_wait3A_101, %dma_wait3A_102, %dma_wait3A_103] : memref<3x4x8x1024xf32, #tpu.memory_space<vmem>> -> memref<1x4x8x1024xf32, #tpu.memory_space<vmem>>
    %dma_wait3A_105 = tpu.memref_squeeze %dma_wait3A_104 : memref<1x4x8x1024xf32, #tpu.memory_space<vmem>> -> memref<4x8x1024xf32, #tpu.memory_space<vmem>>
    tpu.wait_dma2 semaphore(%dma_wait3A_97 : memref<!tpu.dma_semaphore, #tpu.memory_space<semaphore_mem>>) src(%dma_wait3A_105 : memref<4x8x1024xf32, #tpu.memory_space<vmem>>) dst(%dma_wait3A_100 : memref<4x8x1024xf32, #tpu.memory_space<hbm>>)
    %sub3A_106 = arith.constant 1 : i32
    %sub3A_107 = arith.subi %select_n3A, %sub3A_106 : i32
    %rem3A_108 = arith.constant 3 : i32
    %rem3A_109 = arith.remsi %sub3A_107, %rem3A_108 : i32
    %mul3A_110 = arith.constant 8 : i32
    %mul3A_111 = arith.muli %sub3A_107, %mul3A_110 : i32
    %add3A_112 = arith.addi %add3A, %mul3A_111 : i32
    %dma_wait3A_113 = arith.constant 0 : i32
    %dma_wait3A_114 = arith.constant 0 : i32
    %dma_wait3A_115 = arith.constant 0 : i32
    %dma_wait3A_116 = tpu.memref_slice %arg6[%rem3A_109, %dma_wait3A_113, %dma_wait3A_114, %dma_wait3A_115] : memref<3x4x8x1024xf32, #tpu.memory_space<vmem>> -> memref<1x4x8x1024xf32, #tpu.memory_space<vmem>>
    %dma_wait3A_117 = tpu.memref_squeeze %dma_wait3A_116 : memref<1x4x8x1024xf32, #tpu.memory_space<vmem>> -> memref<4x8x1024xf32, #tpu.memory_space<vmem>>
    %dma_wait3A_118 = arith.constant 0 : i32
    %dma_wait3A_119 = arith.constant 0 : i32
    %dma_wait3A_120 = tpu.memref_slice %arg4[%dma_wait3A_118, %add3A_112, %dma_wait3A_119] : memref<4x8192x1024xf32, #tpu.memory_space<hbm>> -> memref<4x8x1024xf32, #tpu.memory_space<hbm>>
    %dma_wait3A_121 = tpu.memref_slice %arg8[%rem3A_109] : memref<3x!tpu.dma_semaphore, #tpu.memory_space<semaphore_mem>> -> memref<1x!tpu.dma_semaphore, #tpu.memory_space<semaphore_mem>>
    %dma_wait3A_122 = tpu.memref_squeeze %dma_wait3A_121 : memref<1x!tpu.dma_semaphore, #tpu.memory_space<semaphore_mem>> -> memref<!tpu.dma_semaphore, #tpu.memory_space<semaphore_mem>>
    %dma_wait3A_123 = arith.constant 0 : i32
    %dma_wait3A_124 = arith.constant 0 : i32
    %dma_wait3A_125 = tpu.memref_slice %arg4[%dma_wait3A_123, %add3A_112, %dma_wait3A_124] : memref<4x8192x1024xf32, #tpu.memory_space<hbm>> -> memref<4x8x1024xf32, #tpu.memory_space<hbm>>
    %dma_wait3A_126 = arith.constant 0 : i32
    %dma_wait3A_127 = arith.constant 0 : i32
    %dma_wait3A_128 = arith.constant 0 : i32
    %dma_wait3A_129 = tpu.memref_slice %arg6[%rem3A_109, %dma_wait3A_126, %dma_wait3A_127, %dma_wait3A_128] : memref<3x4x8x1024xf32, #tpu.memory_space<vmem>> -> memref<1x4x8x1024xf32, #tpu.memory_space<vmem>>
    %dma_wait3A_130 = tpu.memref_squeeze %dma_wait3A_129 : memref<1x4x8x1024xf32, #tpu.memory_space<vmem>> -> memref<4x8x1024xf32, #tpu.memory_space<vmem>>
    tpu.wait_dma2 semaphore(%dma_wait3A_122 : memref<!tpu.dma_semaphore, #tpu.memory_space<semaphore_mem>>) src(%dma_wait3A_130 : memref<4x8x1024xf32, #tpu.memory_space<vmem>>) dst(%dma_wait3A_125 : memref<4x8x1024xf32, #tpu.memory_space<hbm>>)
    return
  }
}

</mosaic_0001>

<sc_bundles>
// kernel: kernel.3.cloned.1.call-start
scs
__scs_entry_jumppad:
0x0: {  	(pc) =	sbr.rel $0x88, $3  }
0x1: {  	(tag) =	ssettag $0x0;
	lr =	simm.s32 $0x1  }
0x2: {  	[smem:$0x3F9F] =	sst lr;
	_ =	strace $0xD0000000  }
0x3: {  	_ = 	snop  }
0x4: {  	_ = 	snop  }
0x5: {  	_ = 	snop  }
0x6: {  	_ = 	snop  }
0x7: {  	_ = 	snop  }
__scs_overlays_trampoline_lowered:
0x8: {  	[smem:$0x3FAE] =	sst s0  }
0x9: {  	[smem:$0x3FAF] =	sst s1  }
0xa: {  	[smem:$0x3FB0] =	sst s2  }
0xb: {  	[smem:$0x3FB1] =	sst s3  }
0xc: {  	[smem:$0x3FB2] =	sst s4  }
0xd: {  	[smem:$0x3FB3] =	sst s5  }
0xe: {  	[smem:$0x3FB4] =	sst s6  }
0xf: {  	[smem:$0x3FB5] =	sst s7  }
0x10: {  	[smem:$0x3FB6] =	sst s8  }
0x11: {  	[smem:$0x3FB7] =	sst s9;
	s0 =	simm.s32 @!p0 $0x0  }
0x12: {  	s1 =	sld [smem:$0x3F9D];
	s0 =	simm.s32 @p0 $0x1  }
0x13: {  	[smem:$0x3FB8] =	sst s0;
	s0 =	simm.s32 @!p1 $0x0  }
0x14: {  	s2 =	sld [smem:$0x3F9C];
	s0 =	simm.s32 @p1 $0x1  }
0x15: {  	[smem:$0x3FB9] =	sst s0;
	s0 =	simm.s32 @!p2 $0x0  }
0x16: {  	s3 =	sld [smem:$0x3FDB];
	s0 =	simm.s32 @p2 $0x1  }
0x17: {  	s4 =	simm.s32 $0x1BF5;
	[smem:$0x3FBB] =	sst s0  }
0x18: {  	s0 =	sld [smem:$0x3F9E];
	_ =	swait.ge [sflag:s4], $0x0  }
0x19: {  	s7 =	sld [smem:$0x3F9F]  }
0x1a: {  	s8 =	sadd.s32 $0xFFFFE003, lr  }
0x1b: {  	s9 =	sadd.s32 $0xFFFFFEF7, lr;
	s5 =	simm.s32 $0xFFFFFFFF;
	p2 =	slt.u32 s8, $0xFFFFF086  }
0x1c: {  	p1 =	slt.u32 s9, $0xF7A;
	s5 =	simm.s32 @!p2 $0x0  }
0x1d: {  	s5 =	simm.s32 @p1 $0x1;
	p0 =	seq.s32 s7, s2  }
0x1e: {  	s7 =	smul.u32 @!p0 $0xF7A, s2;
	p2 =	seq.s32 @!p0 s5, $0x0  }
0x1f: {  	s9 =	smul.u32 $0xF7A, s1;
	s8 =	simm.s32 @!p0 $0x1BF5;
	p2 =	por !p2, p0  }
0x20: {  	[sflag:s8] =	ssyncset.s32 @!p0 $0xFFFFF086;
	s6 =	sadd.s32 @!p0 s3, s7;
	s7 =	simm.s32 @!p0 $0x108  }
0x21: {  	s3 =	sadd.s32 s3, s9;
	s6 =	sadd.s32 @!p0 $0x88, s6;
	s7 =	simm.s32 @p2 $0x1082  }
0x22: {  	[simem:s7], [sflag:s8] =	dma.local @!p0 [hbm:s6], $0xF7A  }
0x23: {  	s9 =	sor.u32 $0xD0000000, s2;
	s6 =	simm.s32 $0x108;
	_ =	swait.ge @!p0 [sflag:s8], $0x0  }
0x24: {  	s3 =	sadd.s32 $0x88, s3;
	s6 =	simm.s32 @!p1 $0x1082;
	[sflag:s4] =	ssyncset.s32 $0xFFFFF086  }
0x25: {  	[simem:s6], [sflag:s4] =	dma.local [hbm:s3], $0xF7A  }
0x26: {  	[smem:$0x3F9F] =	sst s1;
	(tag) =	ssettag s2;
	_ =	strace s9  }
0x27: {  	s1 =	sld [smem:$0x3FAF]  }
0x28: {  	s2 =	sld [smem:$0x3FB0]  }
0x29: {  	s4 =	sld [smem:$0x3FB2]  }
0x2a: {  	p0 =	seq.s32 s5, $0x0;
	s5 =	sld [smem:$0x3FB3]  }
0x2b: {  	s6 =	sld [smem:$0x3FB4]  }
0x2c: {  	s7 =	sld [smem:$0x3FB5]  }
0x2d: {  	s3 =	simm.s32 $0x108;
	s8 =	sld [smem:$0x3FB6]  }
0x2e: {  	s3 =	simm.s32 @!p0 $0x1082;
	s9 =	sld [smem:$0x3FB7]  }
0x2f: {  	lr =	sadd.s32 s0, s3;
	s0 =	sld [smem:$0x3FAE]  }
0x30: {  	s3 =	sld [smem:$0x3FB1]  }
0x31: {  	[smem:$0x3FBA] =	sst s10  }
0x32: {  	s10 =	sld [smem:$0x3FB8];
	_ =	sdelay $0x3  }
0x33: {  	p0 =	seq.s32 s10, $0x1;
	s10 =	sld [smem:$0x3FBA];
	_ =	sdelay $0x3  }
0x34: {  	[smem:$0x3FBA] =	sst s10  }
0x35: {  	s10 =	sld [smem:$0x3FB9];
	_ =	sdelay $0x3  }
0x36: {  	p1 =	seq.s32 s10, $0x1;
	s10 =	sld [smem:$0x3FBA];
	_ =	sdelay $0x3  }
0x37: {  	[smem:$0x3FBA] =	sst s10  }
0x38: {  	s10 =	sld [smem:$0x3FBB]  }
0x39: {  	_ = 	snop;
	(pc) =	sbr.ind lr, $3  }
0x3a: {  	_ = 	snop  }
0x3b: {  	_ = 	snop  }
0x3c: {  	p2 =	seq.s32 s10, $0x1;
	s10 =	sld [smem:$0x3FBA]  }
0x3d: {  	_ =	shalt  }
0x3e: {  	_ =	shalt  }
0x3f: {  	_ =	shalt  }
0x40: {  	_ =	shalt  }
0x41: {  	_ =	shalt  }
0x42: {  	_ =	shalt  }
0x43: {  	_ =	shalt  }
0x44: {  	_ =	shalt  }
0x45: {  	_ =	shalt  }
0x46: {  	_ =	shalt  }
0x47: {  	_ =	shalt  }
0x48: {  	_ =	shalt  }
0x49: {  	_ =	shalt  }
0x4a: {  	_ =	shalt  }
0x4b: {  	_ =	shalt  }
0x4c: {  	_ =	shalt  }
0x4d: {  	_ =	shalt  }
0x4e: {  	_ =	shalt  }
0x4f: {  	_ =	shalt  }
0x50: {  	_ =	shalt  }
0x51: {  	_ =	shalt  }
0x52: {  	_ =	shalt  }
0x53: {  	_ =	shalt  }
0x54: {  	_ =	shalt  }
0x55: {  	_ =	shalt  }
0x56: {  	_ =	shalt  }
0x57: {  	_ =	shalt  }
0x58: {  	_ =	shalt  }
0x59: {  	_ =	shalt  }
0x5a: {  	_ =	shalt  }
0x5b: {  	_ =	shalt  }
0x5c: {  	_ =	shalt  }
0x5d: {  	_ =	shalt  }
0x5e: {  	_ =	shalt  }
0x5f: {  	_ =	shalt  }
0x60: {  	_ =	shalt  }
0x61: {  	_ =	shalt  }
0x62: {  	_ =	shalt  }
0x63: {  	_ =	shalt  }
0x64: {  	_ =	shalt  }
0x65: {  	_ =	shalt  }
0x66: {  	_ =	shalt  }
0x67: {  	_ =	shalt  }
0x68: {  	_ =	shalt  }
0x69: {  	_ =	shalt  }
0x6a: {  	_ =	shalt  }
0x6b: {  	_ =	shalt  }
0x6c: {  	_ =	shalt  }
0x6d: {  	_ =	shalt  }
0x6e: {  	_ =	shalt  }
0x6f: {  	_ =	shalt  }
0x70: {  	_ =	shalt  }
0x71: {  	_ =	shalt  }
0x72: {  	_ =	shalt  }
0x73: {  	_ =	shalt  }
0x74: {  	_ =	shalt  }
0x75: {  	_ =	shalt  }
0x76: {  	_ =	shalt  }
0x77: {  	_ =	shalt  }
0x78: {  	_ =	shalt  }
0x79: {  	_ =	shalt  }
0x7a: {  	_ =	shalt  }
0x7b: {  	_ =	shalt  }
0x7c: {  	_ =	shalt  }
0x7d: {  	_ =	shalt  }
0x7e: {  	_ =	shalt  }
0x7f: {  	_ =	shalt  }
0x80: {  	_ =	shalt  }
0x81: {  	_ =	shalt  }
0x82: {  	_ =	shalt  }
0x83: {  	_ =	shalt  }
0x84: {  	_ =	shalt  }
0x85: {  	_ =	shalt  }
0x86: {  	_ =	shalt  }
0x87: {  	_ =	shalt  }
.Lfunc_end0:
.L_simem_size_0:
called_computation_lowered:
.L_overlay_start_0:
0x88: {  	s2 =	sld [smem:$0x3FD9]  }
0x89: {  	s3 =	sld [smem:$0x3FFE];
	_ =	sdelay $0x1  }
0x8a: {  	s1 =	srdreg.scid  }
0x8b: {  	s0 =	sand.u32 $0x1, s1  }
0x8c: {  	s18 =	sshll.u32 s0, $0xA;
	s2 =	sadd.s32 s3, s2  }
0x8d: {  	s2 =	sadd.s32 s2, s18  }
0x8e: {  	[smem:$0x3FC6] =	sst s2  }
0x8f: {  	_ = 	snop  }
0x90: {  	s2 =	sld [smem:$0x3FC9]  }
0x91: {  	s19 =	sld [smem:$0x3FC8]  }
0x92: {  	s4 =	sld [smem:$0x3FD0];
	(tm) =	ssettm $0x1  }
0x93: {  	s5 =	sld [smem:$0x3FFB];
	_ =	sdelay $0x3  }
0x94: {  	_ =	strace s5  }
0x95: {  	s5 =	sld [smem:$0x3FFC];
	_ =	sdelay $0x3  }
0x96: {  	_ =	strace s5  }
0x97: {  	s5 =	sld [smem:$0x3FFD];
	_ =	sdelay $0x3  }
0x98: {  	_ =	strace s5  }
0x99: {  	_ =	strace $0x8FFFFFFF  }
0x9a: {  	s20 =	sld [smem:$0x3FDB];
	_ =	sdelay $0x1  }
0x9b: {  	s6 =	simm.s32 $_scs_section_size  }
0x9c: {  	s7 =	simm.s32 $_size__tile_overlayer_lowered;
	s8 =	simm.s32 $_tile_overlayer_lowered  }
0x9d: {  	s23 =	simm.s32 $0x1BFF;
	s22 =	sshll.u32 s8, $0x1;
	s5 =	sadd.s32 s6, s20  }
0x9e: {  	s9 =	simm.s32 $0x0;
	s21 =	sshll.u32 s7, $0x1;
	s7 =	sadd.s32 s22, s5  }
0x9f: {  	[timem:s9], [sflag:s23] =	dma.local [hbm:s7], s21  }
0xa0: {  	_ =	swait.ge [sflag:s23], s21  }
0xa1: {  	s6 =	ssub.s32 $0x0, s21;
	[sflag:s23] =	ssyncset.done $0x0  }
0xa2: {  	[sflag:s23] =	ssyncadd.s32 s6;
	_ =	sdelay $0x1  }
0xa3: {  	s24 =	simm.s32 $0x1B8B  }
0xa4: {  	_ =	swait.ge [sflag:s24], $0x1  }
0xa5: {  	[sflag:s24] =	ssyncset.done $0x0  }
0xa6: {  	s25 =	simm.s32 $0x1B8E;
	[sflag:s24] =	ssyncadd.s32 $0xFFFFFFFF  }
0xa7: {  	s26 =	simm.s32 $execute0_lowered;
	[smem:$0x3FD2] =	sst s25  }
0xa8: {  	s6 =	sshll.u32 s26, $0x1;
	_ =	strace $0x80000046;
	[dreg:$0x1] =	wrdreg $0xFFFFFFFF  }
0xa9: {  	s28 =	simm.s32 $_size_execute0_lowered;
	s5 =	sadd.s32 s5, s6;
	[dreg:$0x0] =	wrdreg $0x0  }
0xaa: {  	s6 =	sshll.u32 s28, $0x1;
	[dreg:$0x2] =	wrdreg s5  }
0xab: {  	[dreg:$0x3] =	wrdreg s6  }
0xac: {  	[dreg:$0x4] =	wrdreg $0xC0  }
0xad: {  	_ =	task [dreg:s9], $0x5FFFF  }
0xae: {  	[dreg:$0x1] =	wrdreg $0xFFFFFFFF  }
0xaf: {  	[dreg:$0x0] =	wrdreg $0x60  }
0xb0: {  	[dreg:$0x2] =	wrdreg s2  }
0xb1: {  	[dreg:$0x3] =	wrdreg s19  }
0xb2: {  	[dreg:$0x4] =	wrdreg s4  }
0xb3: {  	[dreg:$0x5] =	wrdreg $0x9  }
0xb4: {  	_ =	task.clear_ibuf [dreg:s9], $0x6FFFF;
	_ =	strace $0x90000046  }
0xb5: {  	s29 =	simm.s32 $0x9;
	_ =	strace $0x80000048  }
0xb6: {  	_ =	swait.ge [sflag:s29], $0x1  }
0xb7: {  	[sflag:s29] =	ssyncadd.s32 $0xFFFFFFFF  }
0xb8: {  	_ =	strace $0x90000048  }
0xb9: {  	_ =	sfence  }
0xba: {  	s30 =	sld [smem:$0x0];
	_ =	sdelay $0x2  }
0xbb: {  	s31 =	sshll.u32 s1, $0xD;
	s1 =	sshrl.u32 s1, $0x2  }
0xbc: {  	s3 =	sand.u32 $0x4000, s31;
	s1 =	sadd.s32 s1, s30  }
0xbd: {  	s0 =	sor.u32 s3, s0;
	s1 =	sshll.u32 s1, $0x11  }
0xbe: {  	s0 =	sor.u32 s1, s0  }
0xbf: {  	s0 =	sadd.s32 $0x8F2B, s0  }
0xc0: {  	[sflag:s0] =	ssyncadd.remote.s32 $0x1  }
0xc1: {  	_ =	sfence.sel $0xFFFF  }
0xc2: {  	[dreg:$0x0] =	wrdreg $0xFFFFFFFF;
	(pc) =	sbr.abs _section_cstart, $3  }
0xc3: {  	[dreg:$0x1] =	wrdreg $0xFFFFFFFF  }
0xc4: {  	_ =	task.clear_ibuf [dreg:s9], $0x2FFFF;
	_ =	strace $0x9FFFFFFF  }
0xc5: {  	(tm) =	ssettm $0x7FFFFFFF  }
tec
execute0_lowered:
.L_overlay_start_1:
0x0: {  	(tag) =	ssettag $0x1  }
0x1: {  	s2 =	rddreg [dreg:$0x0]  }
0x2: {  	s3 =	rddreg [dreg:$0x1];
	s0 =	srdreg.scid  }
0x3: {  	s4 =	rddreg [dreg:$0x2];
	s1 =	stileid.u32;
	s5 =	simm.s32 $0x0  }
0x4: {  	s11 =	simm.s32 $0x800000;
	s12 =	simm.s32 $0x6;
	s13 =	simm.s32 $0x4  }
0x5: {  	s14 =	simm.s32 $0x5;
	s15 =	simm.s32 $0x0;
	s6 =	sand.u32 $0x1, s0  }
0x6: {  	s0 =	rddreg [dreg:$0x3];
	s7 =	sshll.u32 s1, $0x9;
	s8 =	sshll.u32 s6, $0x8  }
0x7: {  	[smem:$0x7FF] =	sst s5;
	s6 =	ssub.s32 $0x2, s6;
	s8 =	sor.u32 s8, s7  }
0x8: {  	_ =	strace $0x80000047;
	s31 =	sshrl.u32 s6, $0x1;
	s9 =	sshll.u32 s8, $0x7  }
0x9: {  	s10 =	ssub.s32 s6, s31;
	s8 =	sshrl.u32 s8, $0x3;
	s6 =	sadd.s32 s3, s9  }
0xa: {  	s7 =	sadd.s32 s2, s9;
	s9 =	smax.u32 s10, $0x1;
	s10 =	simm.s32 $0x2000  }
.LBB2_1:
0xb: {  	[tilespmem:s5], [sflag:$0x1] =	stream.linear.gather [hbm4b:s6+s5], $0x2000, $0x38;
	[tilespmem:$0x1E000] =	vst v63  }
0xc: {  	s16 =	simm.s32 $0x6000;
	s17 =	simm.s32 $0x400;
	s18 =	simm.s32 $0x0  }
0xd: {  	[tilespmem:s16], [sflag:$0x1] =	stream.strided.gather [hbm4b:s7+s10], $0x8000, s11, s10, $0x38;
	[tilespmem:$0x1E000] =	vst v63  }
.LBB2_2:
0xe: {  	s20 =	smul.u32 $0xAB, s18;
	_ =	sdelay $0x1  }
0xf: {  	s19 =	sadd.s32 $0xAB, s20  }
0x10: {  	s19 =	sshrl.u32 s19, $0x9  }
0x11: {  	s19 =	sand.u32 $0x7F, s19  }
0x12: {  	s21 =	smul.u32 $0x3, s19  }
0x13: {  	p0 =	seq.s32 s18, $0x1F;
	s19 =	sadd.s32 $0x1, s18  }
0x14: {  	p1 =	slt.u32 @!p0 s18, $0x2;
	s20 =	sshrl.u32 s20, $0x9;
	s21 =	ssub.s32 s19, s21  }
0x15: {  	p1 =	por p1, p0;
	s20 =	sand.u32 $0x7F, s20;
	s21 =	sand.u32 $0xFF, s21  }
0x16: {  	s20 =	smul.u32 $0x3, s20;
	s22 =	sadd.s32 @!p1 $0x4, s21  }
0x17: {  	s31 =	smulhi.u32 $0xAAAAAAAB, s18;
	_ =	swait.ge @!p1 [sflag:s22], $0x8000  }
0x18: {  	s26 =	simm.s32 @!p0 $0x0;
	s20 =	ssub.s32 s18, s20;
	[sflag:s22] =	ssyncset.done @!p1 $0x0  }
0x19: {  	s20 =	sand.u32 $0xFF, s20;
	[sflag:s22] =	ssyncadd.s32 @!p1 $0xFFFF8000;
	s22 =	sadd.s32 @!p0 s8, s19  }
0x1a: {  	s23 =	sadd.s32 @!p0 $0x1, s21;
	s21 =	sshll.u32 @!p0 s21, $0xF;
	s22 =	sshll.u32 @!p0 s22, $0xA  }
0x1b: {  	s24 =	sshrl.u32 @!p0 s21, $0x2;
	s21 =	sor.u32 @!p0 $0x6000, s21;
	s25 =	sadd.s32 @!p0 s3, s22  }
0x1c: {  	[tilespmem:s24], [sflag:s23] =	stream.linear.gather @!p0 [hbm4b:s25+s26], $0x2000, $0x38;
	[tilespmem:$0x1E000] =	vst v63  }
0x1d: {  	s22 =	sadd.s32 @!p0 s2, s22;
	s25 =	simm.s32 @!p0 $0x2000;
	s26 =	simm.s32 @!p0 $0x800000  }
0x1e: {  	[tilespmem:s21], [sflag:s23] =	stream.strided.gather @!p0 [hbm4b:s22+s25], $0x8000, s26, s25, $0x38;
	[tilespmem:$0x1E000] =	vst v63  }
0x1f: {  	s25 =	sadd.s32 $0x1, s20  }
0x20: {  	s24 =	sshrl.u32 s31, $0x1;
	_ =	swait.ge [sflag:s25], $0x2000  }
0x21: {  	s28 =	smul.u32 $0xFFFE8000, s24;
	[sflag:s25] =	ssyncset.done $0x0  }
0x22: {  	s31 =	sshll.u32 s20, $0xF;
	s26 =	smul.u32 $0xFFFA0000, s24;
	[sflag:s25] =	ssyncadd.s32 $0xFFFFE000  }
0x23: {  	s22 =	sor.u32 $0x6000, s31;
	s24 =	simm.s32 $0x0;
	_ =	swait.ge [sflag:s25], $0x8000  }
0x24: {  	s30 =	sshra.s32 s28, $0x2;
	s29 =	sshra.s32 s26, $0x2;
	[sflag:s25] =	ssyncset.done $0x0  }
0x25: {  	s23 =	sadd.s32 s30, s17;
	s21 =	sadd.s32 s29, s16;
	[sflag:s25] =	ssyncadd.s32 $0xFFFF8000  }
.LBB2_3:
0x26: {  	v0 =	vmov s23;
	_ =	sdelay $0x3  }
0x27: {  	s26 =	simm.s32 $0x0  }
0x28: {  	v1 =	vld.idx.msk [tilespmem:v0+s26+$0x70 ss:$0x1], $0xffff  }
0x29: {  	v2 =	vld.idx.msk [tilespmem:v0+s26+$0xFFFFFC00 ss:$0x1], $0xffff  }
0x2a: {  	v3 =	vld.idx.msk [tilespmem:v0+s26+$0xFFFFFC10 ss:$0x1], $0xffff  }
0x2b: {  	v4 =	vld.idx.msk [tilespmem:v0+s26+$0xFFFFFC20 ss:$0x1], $0xffff  }
0x2c: {  	v5 =	vld.idx.msk [tilespmem:v0+s26+$0xFFFFFC30 ss:$0x1], $0xffff  }
0x2d: {  	v6 =	vld.idx.msk [tilespmem:v0+s26+$0xFFFFFC40 ss:$0x1], $0xffff  }
0x2e: {  	v7 =	vld.idx.msk [tilespmem:v0+s26+$0xFFFFFC50 ss:$0x1], $0xffff  }
0x2f: {  	v8 =	vld.idx.msk [tilespmem:v0+s26+$0xFFFFFC60 ss:$0x1], $0xffff  }
0x30: {  	v9 =	vld.idx.msk [tilespmem:v0+s26+$0xFFFFFC70 ss:$0x1], $0xffff  }
0x31: {  	v10 =	vld.idx.msk [tilespmem:v0+s26+$0x0 ss:$0x1], $0xffff  }
0x32: {  	v11 =	vld.idx.msk [tilespmem:v0+s26+$0x10 ss:$0x1], $0xffff  }
0x33: {  	v12 =	vld.idx.msk [tilespmem:v0+s26+$0x20 ss:$0x1], $0xffff  }
0x34: {  	v13 =	vld.idx.msk [tilespmem:v0+s26+$0x30 ss:$0x1], $0xffff  }
0x35: {  	v14 =	vld.idx.msk [tilespmem:v0+s26+$0x40 ss:$0x1], $0xffff  }
0x36: {  	v15 =	vld.idx.msk [tilespmem:v0+s26+$0x50 ss:$0x1], $0xffff  }
0x37: {  	s25 =	sadd.s32 $0x0, s21;
	v16 =	vld.idx.msk [tilespmem:v0+s26+$0x60 ss:$0x1], $0xffff  }
0x38: {  	[tilespmem:s25+$0x6470] =	vst.add.f32.msk $0xffff, v1  }
0x39: {  	[tilespmem:s25+$0x0] =	vst.add.f32.msk $0xffff, v2  }
0x3a: {  	[tilespmem:s25+$0x2000] =	vst.add.f32.msk $0xffff, v2  }
0x3b: {  	[tilespmem:s25+$0x4000] =	vst.add.f32.msk $0xffff, v2  }
0x3c: {  	[tilespmem:s25+$0x6000] =	vst.add.f32.msk $0xffff, v2  }
0x3d: {  	[tilespmem:s25+$0x10] =	vst.add.f32.msk $0xffff, v3  }
0x3e: {  	[tilespmem:s25+$0x2010] =	vst.add.f32.msk $0xffff, v3  }
0x3f: {  	[tilespmem:s25+$0x4010] =	vst.add.f32.msk $0xffff, v3  }
0x40: {  	[tilespmem:s25+$0x6010] =	vst.add.f32.msk $0xffff, v3  }
0x41: {  	[tilespmem:s25+$0x20] =	vst.add.f32.msk $0xffff, v4  }
0x42: {  	[tilespmem:s25+$0x2020] =	vst.add.f32.msk $0xffff, v4  }
0x43: {  	[tilespmem:s25+$0x4020] =	vst.add.f32.msk $0xffff, v4  }
0x44: {  	[tilespmem:s25+$0x6020] =	vst.add.f32.msk $0xffff, v4  }
0x45: {  	[tilespmem:s25+$0x30] =	vst.add.f32.msk $0xffff, v5  }
0x46: {  	[tilespmem:s25+$0x2030] =	vst.add.f32.msk $0xffff, v5  }
0x47: {  	[tilespmem:s25+$0x4030] =	vst.add.f32.msk $0xffff, v5  }
0x48: {  	[tilespmem:s25+$0x6030] =	vst.add.f32.msk $0xffff, v5  }
0x49: {  	[tilespmem:s25+$0x40] =	vst.add.f32.msk $0xffff, v6  }
0x4a: {  	[tilespmem:s25+$0x2040] =	vst.add.f32.msk $0xffff, v6  }
0x4b: {  	[tilespmem:s25+$0x4040] =	vst.add.f32.msk $0xffff, v6  }
0x4c: {  	[tilespmem:s25+$0x6040] =	vst.add.f32.msk $0xffff, v6  }
0x4d: {  	[tilespmem:s25+$0x50] =	vst.add.f32.msk $0xffff, v7  }
0x4e: {  	[tilespmem:s25+$0x2050] =	vst.add.f32.msk $0xffff, v7  }
0x4f: {  	[tilespmem:s25+$0x4050] =	vst.add.f32.msk $0xffff, v7  }
0x50: {  	[tilespmem:s25+$0x6050] =	vst.add.f32.msk $0xffff, v7  }
0x51: {  	[tilespmem:s25+$0x60] =	vst.add.f32.msk $0xffff, v8  }
0x52: {  	[tilespmem:s25+$0x2060] =	vst.add.f32.msk $0xffff, v8  }
0x53: {  	[tilespmem:s25+$0x4060] =	vst.add.f32.msk $0xffff, v8  }
0x54: {  	[tilespmem:s25+$0x6060] =	vst.add.f32.msk $0xffff, v8  }
0x55: {  	[tilespmem:s25+$0x70] =	vst.add.f32.msk $0xffff, v9  }
0x56: {  	[tilespmem:s25+$0x2070] =	vst.add.f32.msk $0xffff, v9  }
0x57: {  	[tilespmem:s25+$0x4070] =	vst.add.f32.msk $0xffff, v9  }
0x58: {  	[tilespmem:s25+$0x6070] =	vst.add.f32.msk $0xffff, v9  }
0x59: {  	[tilespmem:s25+$0x400] =	vst.add.f32.msk $0xffff, v10  }
0x5a: {  	[tilespmem:s25+$0x2400] =	vst.add.f32.msk $0xffff, v10  }
0x5b: {  	[tilespmem:s25+$0x4400] =	vst.add.f32.msk $0xffff, v10  }
0x5c: {  	[tilespmem:s25+$0x6400] =	vst.add.f32.msk $0xffff, v10  }
0x5d: {  	[tilespmem:s25+$0x410] =	vst.add.f32.msk $0xffff, v11  }
0x5e: {  	[tilespmem:s25+$0x2410] =	vst.add.f32.msk $0xffff, v11  }
0x5f: {  	[tilespmem:s25+$0x4410] =	vst.add.f32.msk $0xffff, v11  }
0x60: {  	[tilespmem:s25+$0x6410] =	vst.add.f32.msk $0xffff, v11  }
0x61: {  	[tilespmem:s25+$0x420] =	vst.add.f32.msk $0xffff, v12  }
0x62: {  	[tilespmem:s25+$0x2420] =	vst.add.f32.msk $0xffff, v12  }
0x63: {  	[tilespmem:s25+$0x4420] =	vst.add.f32.msk $0xffff, v12  }
0x64: {  	[tilespmem:s25+$0x6420] =	vst.add.f32.msk $0xffff, v12  }
0x65: {  	[tilespmem:s25+$0x430] =	vst.add.f32.msk $0xffff, v13  }
0x66: {  	[tilespmem:s25+$0x2430] =	vst.add.f32.msk $0xffff, v13  }
0x67: {  	[tilespmem:s25+$0x4430] =	vst.add.f32.msk $0xffff, v13  }
0x68: {  	[tilespmem:s25+$0x6430] =	vst.add.f32.msk $0xffff, v13  }
0x69: {  	[tilespmem:s25+$0x440] =	vst.add.f32.msk $0xffff, v14  }
0x6a: {  	[tilespmem:s25+$0x2440] =	vst.add.f32.msk $0xffff, v14  }
0x6b: {  	[tilespmem:s25+$0x4440] =	vst.add.f32.msk $0xffff, v14  }
0x6c: {  	[tilespmem:s25+$0x6440] =	vst.add.f32.msk $0xffff, v14  }
0x6d: {  	[tilespmem:s25+$0x450] =	vst.add.f32.msk $0xffff, v15  }
0x6e: {  	[tilespmem:s25+$0x2450] =	vst.add.f32.msk $0xffff, v15  }
0x6f: {  	[tilespmem:s25+$0x4450] =	vst.add.f32.msk $0xffff, v15  }
0x70: {  	[tilespmem:s25+$0x6450] =	vst.add.f32.msk $0xffff, v15  }
0x71: {  	[tilespmem:s25+$0x460] =	vst.add.f32.msk $0xffff, v16  }
0x72: {  	[tilespmem:s25+$0x2460] =	vst.add.f32.msk $0xffff, v16  }
0x73: {  	[tilespmem:s25+$0x4460] =	vst.add.f32.msk $0xffff, v16  }
0x74: {  	[tilespmem:s25+$0x6460] =	vst.add.f32.msk $0xffff, v16  }
0x75: {  	[tilespmem:s25+$0x470] =	vst.add.f32.msk $0xffff, v1  }
0x76: {  	s28 =	simm.s32 $0x2000;
	s26 =	simm.s32 $0x0;
	[tilespmem:s25+$0x2470] =	vst.add.f32.msk $0xffff, v1  }
.LBB2_4:
0x77: {  	s29 =	sshra.s32 s28, $0x2;
	s26 =	sadd.s32 $0x10, s26;
	[tilespmem:s25+$0x4470] =	vst.add.f32.msk $0xffff, v1  }
0x78: {  	v1 =	vld.idx.msk [tilespmem:v0+s29+$0x70 ss:$0x1], $0xffff;
	p0 =	slt.u32 s26, $0x30  }
0x79: {  	v2 =	vld.idx.msk [tilespmem:v0+s29+$0xFFFFFC00 ss:$0x1], $0xffff  }
0x7a: {  	v3 =	vld.idx.msk [tilespmem:v0+s29+$0xFFFFFC10 ss:$0x1], $0xffff  }
0x7b: {  	v4 =	vld.idx.msk [tilespmem:v0+s29+$0xFFFFFC20 ss:$0x1], $0xffff  }
0x7c: {  	v5 =	vld.idx.msk [tilespmem:v0+s29+$0xFFFFFC30 ss:$0x1], $0xffff  }
0x7d: {  	s25 =	sadd.s32 s29, s21;
	v6 =	vld.idx.msk [tilespmem:v0+s29+$0xFFFFFC40 ss:$0x1], $0xffff  }
0x7e: {  	[tilespmem:s25+$0x6470] =	vst.add.f32.msk $0xffff, v1  }
0x7f: {  	v7 =	vld.idx.msk [tilespmem:v0+s29+$0xFFFFFC50 ss:$0x1], $0xffff  }
0x80: {  	v8 =	vld.idx.msk [tilespmem:v0+s29+$0xFFFFFC60 ss:$0x1], $0xffff  }
0x81: {  	v9 =	vld.idx.msk [tilespmem:v0+s29+$0xFFFFFC70 ss:$0x1], $0xffff  }
0x82: {  	v10 =	vld.idx.msk [tilespmem:v0+s29+$0x0 ss:$0x1], $0xffff  }
0x83: {  	v11 =	vld.idx.msk [tilespmem:v0+s29+$0x10 ss:$0x1], $0xffff  }
0x84: {  	v12 =	vld.idx.msk [tilespmem:v0+s29+$0x20 ss:$0x1], $0xffff  }
0x85: {  	v13 =	vld.idx.msk [tilespmem:v0+s29+$0x30 ss:$0x1], $0xffff  }
0x86: {  	v14 =	vld.idx.msk [tilespmem:v0+s29+$0x40 ss:$0x1], $0xffff  }
0x87: {  	v15 =	vld.idx.msk [tilespmem:v0+s29+$0x50 ss:$0x1], $0xffff  }
0x88: {  	v16 =	vld.idx.msk [tilespmem:v0+s29+$0x60 ss:$0x1], $0xffff  }
0x89: {  	[tilespmem:s25+$0x0] =	vst.add.f32.msk $0xffff, v2  }
0x8a: {  	[tilespmem:s25+$0x2000] =	vst.add.f32.msk $0xffff, v2  }
0x8b: {  	[tilespmem:s25+$0x4000] =	vst.add.f32.msk $0xffff, v2  }
0x8c: {  	[tilespmem:s25+$0x6000] =	vst.add.f32.msk $0xffff, v2  }
0x8d: {  	[tilespmem:s25+$0x10] =	vst.add.f32.msk $0xffff, v3  }
0x8e: {  	[tilespmem:s25+$0x2010] =	vst.add.f32.msk $0xffff, v3  }
0x8f: {  	[tilespmem:s25+$0x4010] =	vst.add.f32.msk $0xffff, v3  }
0x90: {  	[tilespmem:s25+$0x6010] =	vst.add.f32.msk $0xffff, v3  }
0x91: {  	[tilespmem:s25+$0x20] =	vst.add.f32.msk $0xffff, v4  }
0x92: {  	[tilespmem:s25+$0x2020] =	vst.add.f32.msk $0xffff, v4  }
0x93: {  	[tilespmem:s25+$0x4020] =	vst.add.f32.msk $0xffff, v4  }
0x94: {  	[tilespmem:s25+$0x6020] =	vst.add.f32.msk $0xffff, v4  }
0x95: {  	[tilespmem:s25+$0x30] =	vst.add.f32.msk $0xffff, v5  }
0x96: {  	[tilespmem:s25+$0x2030] =	vst.add.f32.msk $0xffff, v5  }
0x97: {  	[tilespmem:s25+$0x4030] =	vst.add.f32.msk $0xffff, v5  }
0x98: {  	[tilespmem:s25+$0x6030] =	vst.add.f32.msk $0xffff, v5  }
0x99: {  	[tilespmem:s25+$0x40] =	vst.add.f32.msk $0xffff, v6  }
0x9a: {  	[tilespmem:s25+$0x2040] =	vst.add.f32.msk $0xffff, v6  }
0x9b: {  	[tilespmem:s25+$0x4040] =	vst.add.f32.msk $0xffff, v6  }
0x9c: {  	[tilespmem:s25+$0x6040] =	vst.add.f32.msk $0xffff, v6  }
0x9d: {  	[tilespmem:s25+$0x50] =	vst.add.f32.msk $0xffff, v7  }
0x9e: {  	[tilespmem:s25+$0x2050] =	vst.add.f32.msk $0xffff, v7  }
0x9f: {  	[tilespmem:s25+$0x4050] =	vst.add.f32.msk $0xffff, v7  }
0xa0: {  	[tilespmem:s25+$0x6050] =	vst.add.f32.msk $0xffff, v7  }
0xa1: {  	[tilespmem:s25+$0x60] =	vst.add.f32.msk $0xffff, v8  }
0xa2: {  	[tilespmem:s25+$0x2060] =	vst.add.f32.msk $0xffff, v8  }
0xa3: {  	[tilespmem:s25+$0x4060] =	vst.add.f32.msk $0xffff, v8  }
0xa4: {  	[tilespmem:s25+$0x6060] =	vst.add.f32.msk $0xffff, v8  }
0xa5: {  	[tilespmem:s25+$0x70] =	vst.add.f32.msk $0xffff, v9  }
0xa6: {  	[tilespmem:s25+$0x2070] =	vst.add.f32.msk $0xffff, v9  }
0xa7: {  	[tilespmem:s25+$0x4070] =	vst.add.f32.msk $0xffff, v9  }
0xa8: {  	[tilespmem:s25+$0x6070] =	vst.add.f32.msk $0xffff, v9  }
0xa9: {  	[tilespmem:s25+$0x400] =	vst.add.f32.msk $0xffff, v10  }
0xaa: {  	[tilespmem:s25+$0x2400] =	vst.add.f32.msk $0xffff, v10  }
0xab: {  	[tilespmem:s25+$0x4400] =	vst.add.f32.msk $0xffff, v10  }
0xac: {  	[tilespmem:s25+$0x6400] =	vst.add.f32.msk $0xffff, v10  }
0xad: {  	[tilespmem:s25+$0x410] =	vst.add.f32.msk $0xffff, v11  }
0xae: {  	[tilespmem:s25+$0x2410] =	vst.add.f32.msk $0xffff, v11  }
0xaf: {  	[tilespmem:s25+$0x4410] =	vst.add.f32.msk $0xffff, v11  }
0xb0: {  	[tilespmem:s25+$0x6410] =	vst.add.f32.msk $0xffff, v11  }
0xb1: {  	[tilespmem:s25+$0x420] =	vst.add.f32.msk $0xffff, v12  }
0xb2: {  	[tilespmem:s25+$0x2420] =	vst.add.f32.msk $0xffff, v12  }
0xb3: {  	[tilespmem:s25+$0x4420] =	vst.add.f32.msk $0xffff, v12  }
0xb4: {  	[tilespmem:s25+$0x6420] =	vst.add.f32.msk $0xffff, v12  }
0xb5: {  	[tilespmem:s25+$0x430] =	vst.add.f32.msk $0xffff, v13  }
0xb6: {  	[tilespmem:s25+$0x2430] =	vst.add.f32.msk $0xffff, v13  }
0xb7: {  	[tilespmem:s25+$0x4430] =	vst.add.f32.msk $0xffff, v13  }
0xb8: {  	[tilespmem:s25+$0x6430] =	vst.add.f32.msk $0xffff, v13  }
0xb9: {  	[tilespmem:s25+$0x440] =	vst.add.f32.msk $0xffff, v14  }
0xba: {  	[tilespmem:s25+$0x2440] =	vst.add.f32.msk $0xffff, v14  }
0xbb: {  	[tilespmem:s25+$0x4440] =	vst.add.f32.msk $0xffff, v14  }
0xbc: {  	[tilespmem:s25+$0x6440] =	vst.add.f32.msk $0xffff, v14  }
0xbd: {  	[tilespmem:s25+$0x450] =	vst.add.f32.msk $0xffff, v15  }
0xbe: {  	[tilespmem:s25+$0x2450] =	vst.add.f32.msk $0xffff, v15  }
0xbf: {  	[tilespmem:s25+$0x4450] =	vst.add.f32.msk $0xffff, v15  }
0xc0: {  	[tilespmem:s25+$0x6450] =	vst.add.f32.msk $0xffff, v15  }
0xc1: {  	[tilespmem:s25+$0x460] =	vst.add.f32.msk $0xffff, v16  }
.Ltmp0:
0xc2: {  	[tilespmem:s25+$0x2460] =	vst.add.f32.msk $0xffff, v16;
	(pc) =	sbr.rel @p0 .LBB2_4-.Ltmp0, $4  }
0xc3: {  	[tilespmem:s25+$0x4460] =	vst.add.f32.msk $0xffff, v16  }
0xc4: {  	[tilespmem:s25+$0x6460] =	vst.add.f32.msk $0xffff, v16  }
0xc5: {  	[tilespmem:s25+$0x470] =	vst.add.f32.msk $0xffff, v1  }
0xc6: {  	s28 =	sadd.s32 $0x2000, s28;
	[tilespmem:s25+$0x2470] =	vst.add.f32.msk $0xffff, v1  }
0xc7: {  	s24 =	sadd.s32 $0x1, s24  }
0xc8: {  	p0 =	sne.s32 s24, $0x8  }
.Ltmp1:
0xc9: {  	_ = 	snop;
	(pc) =	sbr.rel @p0 .LBB2_3-.Ltmp1, $2  }
0xca: {  	_ =	sdelay $0x2  }
0xcb: {  	[tilespmem:s25+$0x4470] =	vst.add.f32.msk $0xffff, v1;
	s21 =	sadd.s32 $0x80, s21;
	s23 =	sadd.s32 $0x80, s23  }
0xcc: {  	p0 =	sne.s32 s19, $0x20  }
.Ltmp2:
0xcd: {  	s18 =	sadd.s32 s8, s18;
	(pc) =	sbr.rel @p0 .LBB2_2-.Ltmp2, $4  }
0xce: {  	s18 =	sshll.u32 s18, $0xA  }
0xcf: {  	s20 =	sadd.s32 $0x4, s20;
	s18 =	sadd.s32 s4, s18  }
0xd0: {  	[hbm4b:s18+s10] =	stream.strided.scatter [tilespmem:s22], [sflag:s20], $0x8000, s11, s10, $0x38;
	[tilespmem:$0x1E000] =	vst v63  }
0xd1: {  	s16 =	sadd.s32 $0x8000, s16;
	s17 =	sadd.s32 $0x2000, s17;
	s18 =	smov.u32 s19  }
0xd2: {  	_ =	swait.ge [sflag:s12], $0x8000  }
0xd3: {  	[sflag:s12] =	ssyncset.done $0x0  }
0xd4: {  	s15 =	sadd.s32 $0x1, s15;
	[sflag:s12] =	ssyncadd.s32 $0xFFFF8000  }
0xd5: {  	p0 =	sne.s32 s15, s9;
	_ =	swait.ge [sflag:s13], $0x8000  }
.Ltmp3:
0xd6: {  	[sflag:s13] =	ssyncset.done $0x0;
	(pc) =	sbr.rel @p0 .LBB2_1-.Ltmp3, $4  }
0xd7: {  	[sflag:s13] =	ssyncadd.s32 $0xFFFF8000  }
0xd8: {  	_ =	swait.ge [sflag:s14], $0x8000  }
0xd9: {  	[sflag:s14] =	ssyncset.done $0x0  }
0xda: {  	[sflag:s14] =	ssyncadd.s32 $0xFFFF8000  }
0xdb: {  	_ =	sfence.sel $0x180000  }
0xdc: {  	[bflag:$0x0] =	sbarrier.arrive $0xFFFF  }
0xdd: {  	p0 =	sne.s32 s1, $0x0;
	_ =	strace $0x90000047  }
0xde: {  	s0 =	sadd.s32 @!p0 $0x100000, s0;
	[bflag:$0x2] =	sbarrier.arrive $0xFFFF  }
0xdf: {  	[sflag:s0] =	ssyncadd.tile.s32 @!p0 $0x1;
	_ =	shalt  }
.Lfunc_end2:
_tile_overlayer_lowered:
.L_overlay_start_2:
0xe0: {  	(tag) =	ssettag $0x2  }
0xe1: {  	s0 =	rddreg [dreg:$0x0];
	s2 =	stileid.u32  }
0xe2: {  	s1 =	rddreg [dreg:$0x1];
	p0 =	sne.s32 s2, $0x0  }
0xe3: {  	s3 =	rddreg [dreg:$0x2];
	[bflag:$0x3] =	sbarrier.arrive $0xFFFF;
	s2 =	simm.s32 @!p0 $0x1C07  }
0xe4: {  	[timem:s3], [sflag:s2] =	dma.local @!p0 [hbm:s0], s1  }
0xe5: {  	s0 =	simm.s32 @!p0 $0x7  }
0xe6: {  	_ =	swait.ge @!p0 [sflag:s0], s1  }
0xe7: {  	s1 =	ssub.s32 @!p0 $0x0, s1;
	[sflag:s0] =	ssyncset.done @!p0 $0x0  }
0xe8: {  	[sflag:s0] =	ssyncadd.s32 @!p0 s1  }
0xe9: {  	[bflag:$0x3] =	sbarrier.arrive $0xFFFF  }
0xea: {  	_ =	shalt  }

</sc_bundles>
